<compile_context>
chip_gen: v7x
topology: tpu7x:2x2x1
jax: 0.10.2.dev20260603
libtpu: 0.0.44.dev20260713+nightly
codegen_flags: <defaults>
</compile_context>

<pallas_src>
import functools

import jax
import jax.numpy as jnp
from jax import lax
from jax.experimental import pallas as pl
from jax.experimental.pallas import tpu as pltpu
from jax.experimental.pallas import tpu_sc as plsc

N = 10000
D = 128
E = 320000
NC = 2
NS = 16
NW = NC * NS
K = 64
NITER = 160
EPAD = NW * NITER * K
NPAD = 10240
STRIPE = NPAD // NS
PH = NITER // 2
NB = 10
RB = N // NB
EPS = 1e-5

_mesh = plsc.VectorSubcoreMesh(core_axis_name="c", subcore_axis_name="s",
                               num_cores=NC, num_subcores=NS)



def _sc_degree_body(dst_hbm, ones_hbm, zeros_hbm, degp_out, idx_v, ones_v,
                    deg_sp):
    c = lax.axis_index("c")
    s = lax.axis_index("s")
    wid = c * NS + s
    pltpu.sync_copy(zeros_hbm, deg_sp.at[pl.ds(s * STRIPE, STRIPE)])
    pltpu.sync_copy(dst_hbm.at[wid], idx_v)
    pltpu.sync_copy(ones_hbm, ones_v)
    plsc.subcore_barrier()

    def body(j, carry):
        pltpu.sync_copy(ones_v, deg_sp.at[idx_v.at[j]], add=True)
        return carry

    lax.fori_loop(0, NITER, body, 0)
    plsc.subcore_barrier()
    pltpu.sync_copy(deg_sp.at[pl.ds(s * STRIPE, STRIPE)],
                    degp_out.at[c, pl.ds(s * STRIPE, STRIPE)])


_sc_degree = functools.partial(
    pl.kernel,
    out_type=jax.ShapeDtypeStruct((NC, NPAD, D), jnp.float32),
    mesh=_mesh,
    scratch_types=[
        pltpu.VMEM((NITER, K), jnp.int32),
        pltpu.VMEM((K, D), jnp.float32),
        pltpu.VMEM_SHARED((NPAD, D), jnp.float32),
    ],
)(_sc_degree_body)



NBUF = 3


def _sc_aggregate_body(hs_hbm, src_hbm, dst_hbm, zeros_hbm, aggp_out,
                       src_v, dst_v, rows_v, gsem, agg_sp):
    c = lax.axis_index("c")
    s = lax.axis_index("s")
    wid = c * NS + s

    def run_phase(base, cnt, zero_and_barrier):
        pltpu.sync_copy(src_hbm.at[wid, pl.ds(base, cnt)],
                        src_v.at[pl.ds(0, cnt)])
        pltpu.sync_copy(dst_hbm.at[wid, pl.ds(base, cnt)],
                        dst_v.at[pl.ds(0, cnt)])
        pltpu.async_copy(hs_hbm.at[src_v.at[0]], rows_v.at[0], gsem.at[0])
        pltpu.async_copy(hs_hbm.at[src_v.at[1]], rows_v.at[1], gsem.at[1])
        if zero_and_barrier:
            @pl.when(c == 0)
            def _seed_hs():
                @pl.when(s < NS - 1)
                def _full():
                    pltpu.sync_copy(hs_hbm.at[pl.ds(s * STRIPE, STRIPE)],
                                    agg_sp.at[pl.ds(s * STRIPE, STRIPE)])

                @pl.when(s == NS - 1)
                def _tail():
                    tb = (NS - 1) * STRIPE
                    pltpu.sync_copy(hs_hbm.at[pl.ds(tb, N - tb)],
                                    agg_sp.at[pl.ds(tb, N - tb)])
                    pltpu.sync_copy(zeros_hbm.at[pl.ds(0, NPAD - N)],
                                    agg_sp.at[pl.ds(N, NPAD - N)])

            @pl.when(c != 0)
            def _seed_zero():
                pltpu.sync_copy(zeros_hbm,
                                agg_sp.at[pl.ds(s * STRIPE, STRIPE)])

            plsc.subcore_barrier()

        def body(t, carry):
            b = lax.rem(t, NBUF)
            nb = lax.rem(t + 2, NBUF)

            @pl.when(t + 2 < cnt)
            def _prefetch():
                pltpu.async_copy(hs_hbm.at[src_v.at[t + 2]], rows_v.at[nb],
                                 gsem.at[nb])

            pltpu.make_async_copy(hs_hbm.at[src_v.at[t]], rows_v.at[b],
                                  gsem.at[b]).wait()
            pltpu.sync_copy(rows_v.at[b], agg_sp.at[dst_v.at[t]], add=True)
            return carry

        lax.fori_loop(0, cnt, body, 0)

    run_phase(0, PH, True)
    run_phase(PH, PH, False)
    plsc.subcore_barrier()
    pltpu.sync_copy(agg_sp.at[pl.ds(s * STRIPE, STRIPE)],
                    aggp_out.at[c, pl.ds(s * STRIPE, STRIPE)])


_sc_aggregate = functools.partial(
    pl.kernel,
    out_type=jax.ShapeDtypeStruct((NC, NPAD, D), jnp.float32),
    mesh=_mesh,
    scratch_types=[
        pltpu.VMEM((PH, K), jnp.int32),
        pltpu.VMEM((PH, K), jnp.int32),
        pltpu.VMEM((NBUF, K, D), jnp.float32),
        pltpu.SemaphoreType.DMA((NBUF,)),
        pltpu.VMEM_SHARED((NPAD, D), jnp.float32),
    ],
)(_sc_aggregate_body)



def _mm_scale_body(x_ref, w_ref, degp_ref, o_ref):
    h = jnp.dot(x_ref[...], w_ref[...], preferred_element_type=jnp.float32)
    deg = 1.0 + degp_ref[0] + degp_ref[1]
    o_ref[...] = h * lax.rsqrt(deg)


def _tc_matmul_scale(x, W, degp):
    return pl.pallas_call(
        _mm_scale_body,
        grid=(NB,),
        in_specs=[
            pl.BlockSpec((RB, D), lambda i: (i, 0)),
            pl.BlockSpec((D, D), lambda i: (0, 0)),
            pl.BlockSpec((NC, RB, D), lambda i: (0, i, 0)),
        ],
        out_specs=pl.BlockSpec((RB, D), lambda i: (i, 0)),
        out_shape=jax.ShapeDtypeStruct((N, D), jnp.float32),
    )(x, W, degp)



def _final_body(aggp_ref, degp_ref, b_ref, lnw_ref, lnb_ref, a_ref,
                o_ref, t_vmem, acc):
    p = pl.program_id(0)
    i = pl.program_id(1)

    @pl.when(p == 0)
    def _phase0():
        @pl.when(i == 0)
        def _init():
            acc[0] = 0.0
            acc[1] = 0.0

        deg = 1.0 + degp_ref[0] + degp_ref[1]
        ag = aggp_ref[0] + aggp_ref[1]
        t = ag * lax.rsqrt(deg) + b_ref[...]
        t_vmem[pl.ds(i * RB, RB), :] = t
        acc[0] += jnp.sum(t)
        acc[1] += jnp.sum(t * t)

    @pl.when(p == 1)
    def _phase1():
        inv_n = 1.0 / (N * D)
        m = acc[0] * inv_n
        var = acc[1] * inv_n - m * m
        std = jnp.sqrt(var)
        t = t_vmem[pl.ds(i * RB, RB), :]
        o = (t - m) / (std + EPS) * lnw_ref[...] + lnb_ref[...]
        a = a_ref[0, 0]
        o_ref[...] = jnp.where(o >= 0.0, o, a * o)


def _tc_finalize(aggp, degp, b, ln_w, ln_b, prelu_a):
    return pl.pallas_call(
        _final_body,
        grid=(2, NB),
        in_specs=[
            pl.BlockSpec((NC, RB, D),
                         lambda p, i: (0, jnp.where(p == 0, i, 0), 0)),
            pl.BlockSpec((NC, RB, D),
                         lambda p, i: (0, jnp.where(p == 0, i, 0), 0)),
            pl.BlockSpec((1, D), lambda p, i: (0, 0)),
            pl.BlockSpec((1, D), lambda p, i: (0, 0)),
            pl.BlockSpec((1, D), lambda p, i: (0, 0)),
            pl.BlockSpec((1, 1), lambda p, i: (0, 0)),
        ],
        out_specs=pl.BlockSpec((RB, D),
                               lambda p, i: (jnp.where(p == 0, 0, i), 0)),
        out_shape=jax.ShapeDtypeStruct((N, D), jnp.float32),
        scratch_shapes=[
            pltpu.VMEM((N, D), jnp.float32),
            pltpu.SMEM((2,), jnp.float32),
        ],
    )(aggp, degp, b, ln_w, ln_b, prelu_a)



def kernel(x, edge_index, W, b, ln_w, ln_b, prelu_a):
    pad = EPAD - E
    pad_ar = jnp.arange(pad, dtype=jnp.int32)
    src = jnp.concatenate(
        [edge_index[0], pad_ar % N]).reshape(NW, NITER, K)
    dst = jnp.concatenate(
        [edge_index[1], N + pad_ar % (NPAD - N)]).reshape(NW, NITER, K)

    onesd = jnp.ones((K, D), jnp.float32)
    zerosd = jnp.zeros((STRIPE, D), jnp.float32)

    degp = _sc_degree(dst, onesd, zerosd)
    hs = _tc_matmul_scale(x, W, degp)
    aggp = _sc_aggregate(hs, src, dst, zerosd)

    b2 = b.reshape(1, D)
    lnw2 = ln_w.reshape(1, D)
    lnb2 = ln_b.reshape(1, D)
    a2 = prelu_a.reshape(1, 1)
    return _tc_finalize(aggp, degp, b2, lnw2, lnb2, a2)

# --- scband reference (transcript-rebuilt; emitter-appended) ---
"""Pipeline reference for scband-gcn-27891517620413 (READ-ONLY COPY).

The authoritative reference and input builder live on the scoring server;
editing this copy changes nothing except your own understanding.
"""

import jax, jax.numpy as jnp
import numpy as np

N_NODES = 10000
N_EDGES = 320000
D = 128


def setup_inputs(seed: int = 0) -> dict:
    key = jax.random.key(seed)
    k1, k2, k3 = jax.random.split(key, 3)
    x = jax.random.normal(k1, (N_NODES, D), dtype=jnp.float32)
    edge_index = jax.random.randint(k2, (2, N_EDGES), 0, N_NODES, dtype=jnp.int32)
    # GCNConv(128, 128): lin weight (no bias) + conv bias
    W = jax.random.normal(k3, (D, D), dtype=jnp.float32) * (1.0 / np.sqrt(D))
    b = jnp.zeros((D,), dtype=jnp.float32)
    # LayerNorm (PyG, mode='graph') affine params
    ln_w = jnp.ones((D,), dtype=jnp.float32)
    ln_b = jnp.zeros((D,), dtype=jnp.float32)
    # PReLU single learnable slope, init 0.25
    prelu_a = jnp.full((1,), 0.25, dtype=jnp.float32)
    return {"x": x, "edge_index": edge_index, "W": W, "b": b,
            "ln_w": ln_w, "ln_b": ln_b, "prelu_a": prelu_a}


def _gcn_conv(x, edge_index, W, b):
    N = x.shape[0]
    src = edge_index[0]
    dst = edge_index[1]
    loop = jnp.arange(N, dtype=src.dtype)
    si = jnp.concatenate([src, loop])
    di = jnp.concatenate([dst, loop])
    # symmetric normalization with self-loops (GCNConv default)
    deg = jnp.zeros((N,), jnp.float32).at[di].add(1.0)
    dinv = jax.lax.rsqrt(deg)
    norm = dinv[si] * dinv[di]
    h = x @ W
    msg = jnp.take(h, si, axis=0) * norm[:, None]
    out = jnp.zeros((N, h.shape[1]), h.dtype).at[di].add(msg)
    return out + b


def _graph_layernorm(x, w, bias, eps=1e-5):
    # PyG LayerNorm mode='graph', single graph: normalize over ALL nodes and channels
    m = x.mean()
    c = x - m
    std = jnp.sqrt(jnp.mean(c * c))
    return c / (std + eps) * w + bias


def reference(x, edge_index, W, b, ln_w, ln_b, prelu_a):
    out = _gcn_conv(x, edge_index, W, b)
    out = _graph_layernorm(out, ln_w, ln_b)
    out = jnp.where(out >= 0, out, prelu_a * out)
    return out

if __name__ == "__main__":
    import jax
    _d = setup_inputs()
    print(jax.jit(kernel)(*tuple(_d.values())))

</pallas_src>

<mosaic_0001>
#map = affine_map<(d0, d1) -> (0, 0, 0)>
#map1 = affine_map<(d0, d1) -> (0, 0)>
module attributes {stable_mosaic.version = 14 : i64} {
  func.func @_sc_degree_body(%arg0: i32, %arg1: i32, %arg2: memref<32x160x64xi32, #tpu.memory_space<hbm>>, %arg3: memref<64x128xf32, #tpu.memory_space<hbm>>, %arg4: memref<640x128xf32, #tpu.memory_space<hbm>>, %arg5: memref<2x10240x128xf32, #tpu.memory_space<hbm>>, %arg6: memref<160x64xi32, #tpu.memory_space<vmem>>, %arg7: memref<64x128xf32, #tpu.memory_space<vmem>>, %arg8: memref<10240x128xf32, #tpu.memory_space<vmem_shared>>) attributes {dimension_semantics = [#tpu.dimension_semantics<core_parallel>, #tpu.dimension_semantics<subcore_parallel>], iteration_bounds = array<i64: 2, 16>, scalar_prefetch = 0 : i64, scratch_operands = 3 : i64, tpu.core_type = #tpu.core_type<sc_vector_subcore>, window_params = [{transform_indices = #map}, {transform_indices = #map1}, {transform_indices = #map1}, {transform_indices = #map}]} {
    %mul3A = arith.constant 16 : i32
    %mul3A_0 = arith.muli %arg0, %mul3A : i32
    %add3A = arith.addi %mul3A_0, %arg1 : i32
    %mul3A_1 = arith.constant 640 : i32
    %mul3A_2 = arith.muli %arg1, %mul3A_1 : i32
    "tpu.region"() ({
      %run_scoped3A = tpu.sem_alloc : memref<!tpu.dma_semaphore, #tpu.memory_space<semaphore_mem>>
      %dma_start3A = arith.constant 0 : i32
      %dma_start3A_13 = tpu.memref_slice %arg8[%mul3A_2, %dma_start3A] : memref<10240x128xf32, #tpu.memory_space<vmem_shared>> -> memref<640x128xf32, #tpu.memory_space<vmem_shared>>
      tpu.enqueue_dma source(%arg4 : memref<640x128xf32, #tpu.memory_space<hbm>>) target(%dma_start3A_13 : memref<640x128xf32, #tpu.memory_space<vmem_shared>>) target_semaphore(%run_scoped3A : memref<!tpu.dma_semaphore, #tpu.memory_space<semaphore_mem>>)
      %dma_wait3A = arith.constant 0 : i32
      %dma_wait3A_14 = tpu.memref_slice %arg8[%mul3A_2, %dma_wait3A] : memref<10240x128xf32, #tpu.memory_space<vmem_shared>> -> memref<640x128xf32, #tpu.memory_space<vmem_shared>>
      tpu.wait_dma2 semaphore(%run_scoped3A : memref<!tpu.dma_semaphore, #tpu.memory_space<semaphore_mem>>) src(%arg4 : memref<640x128xf32, #tpu.memory_space<hbm>>) dst(%dma_wait3A_14 : memref<640x128xf32, #tpu.memory_space<vmem_shared>>)
      tpu.yield
    }) : () -> ()
    "tpu.region"() ({
      %run_scoped3A = tpu.sem_alloc : memref<!tpu.dma_semaphore, #tpu.memory_space<semaphore_mem>>
      %dma_start3A = arith.constant 0 : i32
      %dma_start3A_13 = arith.constant 0 : i32
      %dma_start3A_14 = tpu.memref_slice %arg2[%add3A, %dma_start3A, %dma_start3A_13] : memref<32x160x64xi32, #tpu.memory_space<hbm>> -> memref<1x160x64xi32, #tpu.memory_space<hbm>>
      %dma_start3A_15 = tpu.memref_squeeze %dma_start3A_14 : memref<1x160x64xi32, #tpu.memory_space<hbm>> -> memref<160x64xi32, #tpu.memory_space<hbm>>
      %dma_start3A_16 = arith.constant 0 : i32
      %dma_start3A_17 = arith.constant 0 : i32
      %dma_start3A_18 = tpu.memref_slice %arg2[%add3A, %dma_start3A_16, %dma_start3A_17] : memref<32x160x64xi32, #tpu.memory_space<hbm>> -> memref<1x160x64xi32, #tpu.memory_space<hbm>>
      %dma_start3A_19 = tpu.memref_squeeze %dma_start3A_18 : memref<1x160x64xi32, #tpu.memory_space<hbm>> -> memref<160x64xi32, #tpu.memory_space<hbm>>
      tpu.enqueue_dma source(%dma_start3A_19 : memref<160x64xi32, #tpu.memory_space<hbm>>) target(%arg6 : memref<160x64xi32, #tpu.memory_space<vmem>>) target_semaphore(%run_scoped3A : memref<!tpu.dma_semaphore, #tpu.memory_space<semaphore_mem>>)
      %dma_wait3A = arith.constant 0 : i32
      %dma_wait3A_20 = arith.constant 0 : i32
      %dma_wait3A_21 = tpu.memref_slice %arg2[%add3A, %dma_wait3A, %dma_wait3A_20] : memref<32x160x64xi32, #tpu.memory_space<hbm>> -> memref<1x160x64xi32, #tpu.memory_space<hbm>>
      %dma_wait3A_22 = tpu.memref_squeeze %dma_wait3A_21 : memref<1x160x64xi32, #tpu.memory_space<hbm>> -> memref<160x64xi32, #tpu.memory_space<hbm>>
      %dma_wait3A_23 = arith.constant 0 : i32
      %dma_wait3A_24 = arith.constant 0 : i32
      %dma_wait3A_25 = tpu.memref_slice %arg2[%add3A, %dma_wait3A_23, %dma_wait3A_24] : memref<32x160x64xi32, #tpu.memory_space<hbm>> -> memref<1x160x64xi32, #tpu.memory_space<hbm>>
      %dma_wait3A_26 = tpu.memref_squeeze %dma_wait3A_25 : memref<1x160x64xi32, #tpu.memory_space<hbm>> -> memref<160x64xi32, #tpu.memory_space<hbm>>
      tpu.wait_dma2 semaphore(%run_scoped3A : memref<!tpu.dma_semaphore, #tpu.memory_space<semaphore_mem>>) src(%dma_wait3A_26 : memref<160x64xi32, #tpu.memory_space<hbm>>) dst(%arg6 : memref<160x64xi32, #tpu.memory_space<vmem>>)
      tpu.yield
    }) : () -> ()
    "tpu.region"() ({
      %run_scoped3A = tpu.sem_alloc : memref<!tpu.dma_semaphore, #tpu.memory_space<semaphore_mem>>
      tpu.enqueue_dma source(%arg3 : memref<64x128xf32, #tpu.memory_space<hbm>>) target(%arg7 : memref<64x128xf32, #tpu.memory_space<vmem>>) target_semaphore(%run_scoped3A : memref<!tpu.dma_semaphore, #tpu.memory_space<semaphore_mem>>)
      tpu.wait_dma2 semaphore(%run_scoped3A : memref<!tpu.dma_semaphore, #tpu.memory_space<semaphore_mem>>) src(%arg3 : memref<64x128xf32, #tpu.memory_space<hbm>>) dst(%arg7 : memref<64x128xf32, #tpu.memory_space<vmem>>)
      tpu.yield
    }) : () -> ()
    %barrier3A = arith.constant 0 : index
    tpu.barrier barrier_id(%barrier3A)
    %scan3A = arith.constant 0 : i32
    %scan3A_3 = arith.constant 0 : i32
    %scan3A_4 = arith.constant 160 : i32
    %scan3A_5 = arith.addi %scan3A_3, %scan3A_4 : i32
    %scan3A_6 = arith.constant 1 : i32
    scf.for %scan3A_13 = %scan3A_3 to %scan3A_5 step %scan3A_6  : i32 {
      "tpu.region"() ({
        %run_scoped3A = tpu.sem_alloc : memref<!tpu.dma_semaphore, #tpu.memory_space<semaphore_mem>>
        %dma_start3A = arith.constant 0 : i32
        %dma_start3A_14 = tpu.memref_slice %arg6[%scan3A_13, %dma_start3A] : memref<160x64xi32, #tpu.memory_space<vmem>> -> memref<1x64xi32, #tpu.memory_space<vmem>>
        %dma_start3A_15 = tpu.memref_squeeze %dma_start3A_14 : memref<1x64xi32, #tpu.memory_space<vmem>> -> memref<64xi32, #tpu.memory_space<vmem>>
        %dma_start3A_16 = arith.constant 0 : i32
        %dma_start3A_17 = arith.constant 0 : i32
        %dma_start3A_18 = tpu.memref_slice %arg8[%dma_start3A_16, %dma_start3A_17] : memref<10240x128xf32, #tpu.memory_space<vmem_shared>> -> memref<10240x128xf32, #tpu.memory_space<vmem_shared>>
        tpu.enqueue_indirect_dma source(%arg7 : memref<64x128xf32, #tpu.memory_space<vmem>>) target(%dma_start3A_18 : memref<10240x128xf32, #tpu.memory_space<vmem_shared>>) offsets(%dma_start3A_15 : memref<64xi32, #tpu.memory_space<vmem>>) semaphore(%run_scoped3A : memref<!tpu.dma_semaphore, #tpu.memory_space<semaphore_mem>>) {add = true}
        %dma_wait3A = arith.constant 0 : i32
        %dma_wait3A_19 = tpu.memref_slice %arg6[%scan3A_13, %dma_wait3A] : memref<160x64xi32, #tpu.memory_space<vmem>> -> memref<1x64xi32, #tpu.memory_space<vmem>>
        %dma_wait3A_20 = tpu.memref_squeeze %dma_wait3A_19 : memref<1x64xi32, #tpu.memory_space<vmem>> -> memref<64xi32, #tpu.memory_space<vmem>>
        %dma_wait3A_21 = arith.constant 0 : i32
        %dma_wait3A_22 = arith.constant 0 : i32
        %dma_wait3A_23 = tpu.memref_slice %arg8[%dma_wait3A_21, %dma_wait3A_22] : memref<10240x128xf32, #tpu.memory_space<vmem_shared>> -> memref<10240x128xf32, #tpu.memory_space<vmem_shared>>
        tpu.wait_indirect_dma semaphore(%run_scoped3A : memref<!tpu.dma_semaphore, #tpu.memory_space<semaphore_mem>>) src(%arg7 : memref<64x128xf32, #tpu.memory_space<vmem>>) dst(%dma_wait3A_23 : memref<10240x128xf32, #tpu.memory_space<vmem_shared>>)
        tpu.yield
      }) : () -> ()
    }
    %scan3A_7 = arith.constant 160 : i32
    %barrier3A_8 = arith.constant 0 : index
    tpu.barrier barrier_id(%barrier3A_8)
    %mul3A_9 = arith.constant 640 : i32
    %mul3A_10 = arith.muli %arg1, %mul3A_9 : i32
    %mul3A_11 = arith.constant 640 : i32
    %mul3A_12 = arith.muli %arg1, %mul3A_11 : i32
    "tpu.region"() ({
      %run_scoped3A = tpu.sem_alloc : memref<!tpu.dma_semaphore, #tpu.memory_space<semaphore_mem>>
      %dma_start3A = arith.constant 0 : i32
      %dma_start3A_13 = tpu.memref_slice %arg5[%arg0, %mul3A_12, %dma_start3A] : memref<2x10240x128xf32, #tpu.memory_space<hbm>> -> memref<1x640x128xf32, #tpu.memory_space<hbm>>
      %dma_start3A_14 = tpu.memref_squeeze %dma_start3A_13 : memref<1x640x128xf32, #tpu.memory_space<hbm>> -> memref<640x128xf32, #tpu.memory_space<hbm>>
      %dma_start3A_15 = arith.constant 0 : i32
      %dma_start3A_16 = tpu.memref_slice %arg8[%mul3A_10, %dma_start3A_15] : memref<10240x128xf32, #tpu.memory_space<vmem_shared>> -> memref<640x128xf32, #tpu.memory_space<vmem_shared>>
      tpu.enqueue_dma source(%dma_start3A_16 : memref<640x128xf32, #tpu.memory_space<vmem_shared>>) target(%dma_start3A_14 : memref<640x128xf32, #tpu.memory_space<hbm>>) target_semaphore(%run_scoped3A : memref<!tpu.dma_semaphore, #tpu.memory_space<semaphore_mem>>)
      %dma_wait3A = arith.constant 0 : i32
      %dma_wait3A_17 = tpu.memref_slice %arg5[%arg0, %mul3A_12, %dma_wait3A] : memref<2x10240x128xf32, #tpu.memory_space<hbm>> -> memref<1x640x128xf32, #tpu.memory_space<hbm>>
      %dma_wait3A_18 = tpu.memref_squeeze %dma_wait3A_17 : memref<1x640x128xf32, #tpu.memory_space<hbm>> -> memref<640x128xf32, #tpu.memory_space<hbm>>
      %dma_wait3A_19 = arith.constant 0 : i32
      %dma_wait3A_20 = tpu.memref_slice %arg8[%mul3A_10, %dma_wait3A_19] : memref<10240x128xf32, #tpu.memory_space<vmem_shared>> -> memref<640x128xf32, #tpu.memory_space<vmem_shared>>
      tpu.wait_dma2 semaphore(%run_scoped3A : memref<!tpu.dma_semaphore, #tpu.memory_space<semaphore_mem>>) src(%dma_wait3A_20 : memref<640x128xf32, #tpu.memory_space<vmem_shared>>) dst(%dma_wait3A_18 : memref<640x128xf32, #tpu.memory_space<hbm>>)
      tpu.yield
    }) : () -> ()
    return
  }
}

#map = affine_map<(d0, d1) -> (0, 0)>
#map1 = affine_map<(d0, d1) -> (0, 0, 0)>
module attributes {stable_mosaic.version = 14 : i64} {
  func.func @_sc_aggregate_body(%arg0: i32, %arg1: i32, %arg2: memref<10000x128xf32, #tpu.memory_space<hbm>>, %arg3: memref<32x160x64xi32, #tpu.memory_space<hbm>>, %arg4: memref<32x160x64xi32, #tpu.memory_space<hbm>>, %arg5: memref<640x128xf32, #tpu.memory_space<hbm>>, %arg6: memref<2x10240x128xf32, #tpu.memory_space<hbm>>, %arg7: memref<80x64xi32, #tpu.memory_space<vmem>>, %arg8: memref<80x64xi32, #tpu.memory_space<vmem>>, %arg9: memref<3x64x128xf32, #tpu.memory_space<vmem>>, %arg10: memref<3x!tpu.dma_semaphore, #tpu.memory_space<semaphore_mem>>, %arg11: memref<10240x128xf32, #tpu.memory_space<vmem_shared>>) attributes {dimension_semantics = [#tpu.dimension_semantics<core_parallel>, #tpu.dimension_semantics<subcore_parallel>], iteration_bounds = array<i64: 2, 16>, scalar_prefetch = 0 : i64, scratch_operands = 5 : i64, tpu.core_type = #tpu.core_type<sc_vector_subcore>, window_params = [{transform_indices = #map}, {transform_indices = #map1}, {transform_indices = #map1}, {transform_indices = #map}, {transform_indices = #map1}]} {
    %mul3A = arith.constant 16 : i32
    %mul3A_0 = arith.muli %arg0, %mul3A : i32
    %add3A = arith.addi %mul3A_0, %arg1 : i32
    "tpu.region"() ({
      %run_scoped3A = tpu.sem_alloc : memref<!tpu.dma_semaphore, #tpu.memory_space<semaphore_mem>>
      %dma_start3A_82 = arith.constant 0 : i32
      %dma_start3A_83 = arith.constant 0 : i32
      %dma_start3A_84 = tpu.memref_slice %arg7[%dma_start3A_82, %dma_start3A_83] : memref<80x64xi32, #tpu.memory_space<vmem>> -> memref<80x64xi32, #tpu.memory_space<vmem>>
      %dma_start3A_85 = arith.constant 0 : i32
      %dma_start3A_86 = arith.constant 0 : i32
      %dma_start3A_87 = tpu.memref_slice %arg3[%add3A, %dma_start3A_85, %dma_start3A_86] : memref<32x160x64xi32, #tpu.memory_space<hbm>> -> memref<1x80x64xi32, #tpu.memory_space<hbm>>
      %dma_start3A_88 = tpu.memref_squeeze %dma_start3A_87 : memref<1x80x64xi32, #tpu.memory_space<hbm>> -> memref<80x64xi32, #tpu.memory_space<hbm>>
      %dma_start3A_89 = arith.constant 0 : i32
      %dma_start3A_90 = arith.constant 0 : i32
      %dma_start3A_91 = tpu.memref_slice %arg7[%dma_start3A_89, %dma_start3A_90] : memref<80x64xi32, #tpu.memory_space<vmem>> -> memref<80x64xi32, #tpu.memory_space<vmem>>
      %dma_start3A_92 = arith.constant 0 : i32
      %dma_start3A_93 = arith.constant 0 : i32
      %dma_start3A_94 = tpu.memref_slice %arg3[%add3A, %dma_start3A_92, %dma_start3A_93] : memref<32x160x64xi32, #tpu.memory_space<hbm>> -> memref<1x80x64xi32, #tpu.memory_space<hbm>>
      %dma_start3A_95 = tpu.memref_squeeze %dma_start3A_94 : memref<1x80x64xi32, #tpu.memory_space<hbm>> -> memref<80x64xi32, #tpu.memory_space<hbm>>
      tpu.enqueue_dma source(%dma_start3A_95 : memref<80x64xi32, #tpu.memory_space<hbm>>) target(%dma_start3A_91 : memref<80x64xi32, #tpu.memory_space<vmem>>) target_semaphore(%run_scoped3A : memref<!tpu.dma_semaphore, #tpu.memory_space<semaphore_mem>>)
      %dma_wait3A = arith.constant 0 : i32
      %dma_wait3A_96 = arith.constant 0 : i32
      %dma_wait3A_97 = tpu.memref_slice %arg7[%dma_wait3A, %dma_wait3A_96] : memref<80x64xi32, #tpu.memory_space<vmem>> -> memref<80x64xi32, #tpu.memory_space<vmem>>
      %dma_wait3A_98 = arith.constant 0 : i32
      %dma_wait3A_99 = arith.constant 0 : i32
      %dma_wait3A_100 = tpu.memref_slice %arg3[%add3A, %dma_wait3A_98, %dma_wait3A_99] : memref<32x160x64xi32, #tpu.memory_space<hbm>> -> memref<1x80x64xi32, #tpu.memory_space<hbm>>
      %dma_wait3A_101 = tpu.memref_squeeze %dma_wait3A_100 : memref<1x80x64xi32, #tpu.memory_space<hbm>> -> memref<80x64xi32, #tpu.memory_space<hbm>>
      %dma_wait3A_102 = arith.constant 0 : i32
      %dma_wait3A_103 = arith.constant 0 : i32
      %dma_wait3A_104 = tpu.memref_slice %arg7[%dma_wait3A_102, %dma_wait3A_103] : memref<80x64xi32, #tpu.memory_space<vmem>> -> memref<80x64xi32, #tpu.memory_space<vmem>>
      %dma_wait3A_105 = arith.constant 0 : i32
      %dma_wait3A_106 = arith.constant 0 : i32
      %dma_wait3A_107 = tpu.memref_slice %arg3[%add3A, %dma_wait3A_105, %dma_wait3A_106] : memref<32x160x64xi32, #tpu.memory_space<hbm>> -> memref<1x80x64xi32, #tpu.memory_space<hbm>>
      %dma_wait3A_108 = tpu.memref_squeeze %dma_wait3A_107 : memref<1x80x64xi32, #tpu.memory_space<hbm>> -> memref<80x64xi32, #tpu.memory_space<hbm>>
      tpu.wait_dma2 semaphore(%run_scoped3A : memref<!tpu.dma_semaphore, #tpu.memory_space<semaphore_mem>>) src(%dma_wait3A_108 : memref<80x64xi32, #tpu.memory_space<hbm>>) dst(%dma_wait3A_104 : memref<80x64xi32, #tpu.memory_space<vmem>>)
      tpu.yield
    }) : () -> ()
    "tpu.region"() ({
      %run_scoped3A = tpu.sem_alloc : memref<!tpu.dma_semaphore, #tpu.memory_space<semaphore_mem>>
      %dma_start3A_82 = arith.constant 0 : i32
      %dma_start3A_83 = arith.constant 0 : i32
      %dma_start3A_84 = tpu.memref_slice %arg8[%dma_start3A_82, %dma_start3A_83] : memref<80x64xi32, #tpu.memory_space<vmem>> -> memref<80x64xi32, #tpu.memory_space<vmem>>
      %dma_start3A_85 = arith.constant 0 : i32
      %dma_start3A_86 = arith.constant 0 : i32
      %dma_start3A_87 = tpu.memref_slice %arg4[%add3A, %dma_start3A_85, %dma_start3A_86] : memref<32x160x64xi32, #tpu.memory_space<hbm>> -> memref<1x80x64xi32, #tpu.memory_space<hbm>>
      %dma_start3A_88 = tpu.memref_squeeze %dma_start3A_87 : memref<1x80x64xi32, #tpu.memory_space<hbm>> -> memref<80x64xi32, #tpu.memory_space<hbm>>
      %dma_start3A_89 = arith.constant 0 : i32
      %dma_start3A_90 = arith.constant 0 : i32
      %dma_start3A_91 = tpu.memref_slice %arg8[%dma_start3A_89, %dma_start3A_90] : memref<80x64xi32, #tpu.memory_space<vmem>> -> memref<80x64xi32, #tpu.memory_space<vmem>>
      %dma_start3A_92 = arith.constant 0 : i32
      %dma_start3A_93 = arith.constant 0 : i32
      %dma_start3A_94 = tpu.memref_slice %arg4[%add3A, %dma_start3A_92, %dma_start3A_93] : memref<32x160x64xi32, #tpu.memory_space<hbm>> -> memref<1x80x64xi32, #tpu.memory_space<hbm>>
      %dma_start3A_95 = tpu.memref_squeeze %dma_start3A_94 : memref<1x80x64xi32, #tpu.memory_space<hbm>> -> memref<80x64xi32, #tpu.memory_space<hbm>>
      tpu.enqueue_dma source(%dma_start3A_95 : memref<80x64xi32, #tpu.memory_space<hbm>>) target(%dma_start3A_91 : memref<80x64xi32, #tpu.memory_space<vmem>>) target_semaphore(%run_scoped3A : memref<!tpu.dma_semaphore, #tpu.memory_space<semaphore_mem>>)
      %dma_wait3A = arith.constant 0 : i32
      %dma_wait3A_96 = arith.constant 0 : i32
      %dma_wait3A_97 = tpu.memref_slice %arg8[%dma_wait3A, %dma_wait3A_96] : memref<80x64xi32, #tpu.memory_space<vmem>> -> memref<80x64xi32, #tpu.memory_space<vmem>>
      %dma_wait3A_98 = arith.constant 0 : i32
      %dma_wait3A_99 = arith.constant 0 : i32
      %dma_wait3A_100 = tpu.memref_slice %arg4[%add3A, %dma_wait3A_98, %dma_wait3A_99] : memref<32x160x64xi32, #tpu.memory_space<hbm>> -> memref<1x80x64xi32, #tpu.memory_space<hbm>>
      %dma_wait3A_101 = tpu.memref_squeeze %dma_wait3A_100 : memref<1x80x64xi32, #tpu.memory_space<hbm>> -> memref<80x64xi32, #tpu.memory_space<hbm>>
      %dma_wait3A_102 = arith.constant 0 : i32
      %dma_wait3A_103 = arith.constant 0 : i32
      %dma_wait3A_104 = tpu.memref_slice %arg8[%dma_wait3A_102, %dma_wait3A_103] : memref<80x64xi32, #tpu.memory_space<vmem>> -> memref<80x64xi32, #tpu.memory_space<vmem>>
      %dma_wait3A_105 = arith.constant 0 : i32
      %dma_wait3A_106 = arith.constant 0 : i32
      %dma_wait3A_107 = tpu.memref_slice %arg4[%add3A, %dma_wait3A_105, %dma_wait3A_106] : memref<32x160x64xi32, #tpu.memory_space<hbm>> -> memref<1x80x64xi32, #tpu.memory_space<hbm>>
      %dma_wait3A_108 = tpu.memref_squeeze %dma_wait3A_107 : memref<1x80x64xi32, #tpu.memory_space<hbm>> -> memref<80x64xi32, #tpu.memory_space<hbm>>
      tpu.wait_dma2 semaphore(%run_scoped3A : memref<!tpu.dma_semaphore, #tpu.memory_space<semaphore_mem>>) src(%dma_wait3A_108 : memref<80x64xi32, #tpu.memory_space<hbm>>) dst(%dma_wait3A_104 : memref<80x64xi32, #tpu.memory_space<vmem>>)
      tpu.yield
    }) : () -> ()
    %dma_start3A = arith.constant 0 : i32
    %dma_start3A_1 = arith.constant 0 : i32
    %dma_start3A_2 = arith.constant 0 : i32
    %dma_start3A_3 = arith.constant 0 : i32
    %dma_start3A_4 = arith.constant 0 : i32
    %dma_start3A_5 = tpu.memref_slice %arg9[%dma_start3A_1, %dma_start3A_3, %dma_start3A_4] : memref<3x64x128xf32, #tpu.memory_space<vmem>> -> memref<1x64x128xf32, #tpu.memory_space<vmem>>
    %dma_start3A_6 = tpu.memref_squeeze %dma_start3A_5 : memref<1x64x128xf32, #tpu.memory_space<vmem>> -> memref<64x128xf32, #tpu.memory_space<vmem>>
    %dma_start3A_7 = arith.constant 0 : i32
    %dma_start3A_8 = tpu.memref_slice %arg7[%dma_start3A, %dma_start3A_7] : memref<80x64xi32, #tpu.memory_space<vmem>> -> memref<1x64xi32, #tpu.memory_space<vmem>>
    %dma_start3A_9 = tpu.memref_squeeze %dma_start3A_8 : memref<1x64xi32, #tpu.memory_space<vmem>> -> memref<64xi32, #tpu.memory_space<vmem>>
    %dma_start3A_10 = arith.constant 0 : i32
    %dma_start3A_11 = arith.constant 0 : i32
    %dma_start3A_12 = tpu.memref_slice %arg2[%dma_start3A_10, %dma_start3A_11] : memref<10000x128xf32, #tpu.memory_space<hbm>> -> memref<10000x128xf32, #tpu.memory_space<hbm>>
    %dma_start3A_13 = tpu.memref_slice %arg10[%dma_start3A_2] : memref<3x!tpu.dma_semaphore, #tpu.memory_space<semaphore_mem>> -> memref<1x!tpu.dma_semaphore, #tpu.memory_space<semaphore_mem>>
    %dma_start3A_14 = tpu.memref_squeeze %dma_start3A_13 : memref<1x!tpu.dma_semaphore, #tpu.memory_space<semaphore_mem>> -> memref<!tpu.dma_semaphore, #tpu.memory_space<semaphore_mem>>
    tpu.enqueue_indirect_dma source(%dma_start3A_12 : memref<10000x128xf32, #tpu.memory_space<hbm>>) target(%dma_start3A_6 : memref<64x128xf32, #tpu.memory_space<vmem>>) offsets(%dma_start3A_9 : memref<64xi32, #tpu.memory_space<vmem>>) semaphore(%dma_start3A_14 : memref<!tpu.dma_semaphore, #tpu.memory_space<semaphore_mem>>)
    %dma_start3A_15 = arith.constant 1 : i32
    %dma_start3A_16 = arith.constant 1 : i32
    %dma_start3A_17 = arith.constant 1 : i32
    %dma_start3A_18 = arith.constant 0 : i32
    %dma_start3A_19 = arith.constant 0 : i32
    %dma_start3A_20 = tpu.memref_slice %arg9[%dma_start3A_16, %dma_start3A_18, %dma_start3A_19] : memref<3x64x128xf32, #tpu.memory_space<vmem>> -> memref<1x64x128xf32, #tpu.memory_space<vmem>>
    %dma_start3A_21 = tpu.memref_squeeze %dma_start3A_20 : memref<1x64x128xf32, #tpu.memory_space<vmem>> -> memref<64x128xf32, #tpu.memory_space<vmem>>
    %dma_start3A_22 = arith.constant 0 : i32
    %dma_start3A_23 = tpu.memref_slice %arg7[%dma_start3A_15, %dma_start3A_22] : memref<80x64xi32, #tpu.memory_space<vmem>> -> memref<1x64xi32, #tpu.memory_space<vmem>>
    %dma_start3A_24 = tpu.memref_squeeze %dma_start3A_23 : memref<1x64xi32, #tpu.memory_space<vmem>> -> memref<64xi32, #tpu.memory_space<vmem>>
    %dma_start3A_25 = arith.constant 0 : i32
    %dma_start3A_26 = arith.constant 0 : i32
    %dma_start3A_27 = tpu.memref_slice %arg2[%dma_start3A_25, %dma_start3A_26] : memref<10000x128xf32, #tpu.memory_space<hbm>> -> memref<10000x128xf32, #tpu.memory_space<hbm>>
    %dma_start3A_28 = tpu.memref_slice %arg10[%dma_start3A_17] : memref<3x!tpu.dma_semaphore, #tpu.memory_space<semaphore_mem>> -> memref<1x!tpu.dma_semaphore, #tpu.memory_space<semaphore_mem>>
    %dma_start3A_29 = tpu.memref_squeeze %dma_start3A_28 : memref<1x!tpu.dma_semaphore, #tpu.memory_space<semaphore_mem>> -> memref<!tpu.dma_semaphore, #tpu.memory_space<semaphore_mem>>
    tpu.enqueue_indirect_dma source(%dma_start3A_27 : memref<10000x128xf32, #tpu.memory_space<hbm>>) target(%dma_start3A_21 : memref<64x128xf32, #tpu.memory_space<vmem>>) offsets(%dma_start3A_24 : memref<64xi32, #tpu.memory_space<vmem>>) semaphore(%dma_start3A_29 : memref<!tpu.dma_semaphore, #tpu.memory_space<semaphore_mem>>)
    %eq3A = arith.constant 0 : i32
    %eq3A_30 = arith.cmpi eq, %arg0, %eq3A : i32
    %convert_element_type3A = arith.extui %eq3A_30 : i1 to i32
    %cond3A = arith.constant 0 : i32
    %cond3A_31 = arith.cmpi ne, %convert_element_type3A, %cond3A : i32
    scf.if %cond3A_31 {
      %lt3A = arith.constant 15 : i32
      %lt3A_82 = arith.cmpi slt, %arg1, %lt3A : i32
      %convert_element_type3A_83 = arith.extui %lt3A_82 : i1 to i32
      %cond3A_84 = arith.constant 0 : i32
      %cond3A_85 = arith.cmpi ne, %convert_element_type3A_83, %cond3A_84 : i32
      scf.if %cond3A_85 {
        %mul3A_91 = arith.constant 640 : i32
        %mul3A_92 = arith.muli %arg1, %mul3A_91 : i32
        %mul3A_93 = arith.constant 640 : i32
        %mul3A_94 = arith.muli %arg1, %mul3A_93 : i32
        "tpu.region"() ({
          %run_scoped3A = tpu.sem_alloc : memref<!tpu.dma_semaphore, #tpu.memory_space<semaphore_mem>>
          %dma_start3A_95 = arith.constant 0 : i32
          %dma_start3A_96 = tpu.memref_slice %arg11[%mul3A_94, %dma_start3A_95] : memref<10240x128xf32, #tpu.memory_space<vmem_shared>> -> memref<640x128xf32, #tpu.memory_space<vmem_shared>>
          %dma_start3A_97 = arith.constant 0 : i32
          %dma_start3A_98 = tpu.memref_slice %arg2[%mul3A_92, %dma_start3A_97] : memref<10000x128xf32, #tpu.memory_space<hbm>> -> memref<640x128xf32, #tpu.memory_space<hbm>>
          tpu.enqueue_dma source(%dma_start3A_98 : memref<640x128xf32, #tpu.memory_space<hbm>>) target(%dma_start3A_96 : memref<640x128xf32, #tpu.memory_space<vmem_shared>>) target_semaphore(%run_scoped3A : memref<!tpu.dma_semaphore, #tpu.memory_space<semaphore_mem>>)
          %dma_wait3A = arith.constant 0 : i32
          %dma_wait3A_99 = tpu.memref_slice %arg11[%mul3A_94, %dma_wait3A] : memref<10240x128xf32, #tpu.memory_space<vmem_shared>> -> memref<640x128xf32, #tpu.memory_space<vmem_shared>>
          %dma_wait3A_100 = arith.constant 0 : i32
          %dma_wait3A_101 = tpu.memref_slice %arg2[%mul3A_92, %dma_wait3A_100] : memref<10000x128xf32, #tpu.memory_space<hbm>> -> memref<640x128xf32, #tpu.memory_space<hbm>>
          tpu.wait_dma2 semaphore(%run_scoped3A : memref<!tpu.dma_semaphore, #tpu.memory_space<semaphore_mem>>) src(%dma_wait3A_101 : memref<640x128xf32, #tpu.memory_space<hbm>>) dst(%dma_wait3A_99 : memref<640x128xf32, #tpu.memory_space<vmem_shared>>)
          tpu.yield
        }) : () -> ()
      } else {
      }
      %eq3A_86 = arith.constant 15 : i32
      %eq3A_87 = arith.cmpi eq, %arg1, %eq3A_86 : i32
      %convert_element_type3A_88 = arith.extui %eq3A_87 : i1 to i32
      %cond3A_89 = arith.constant 0 : i32
      %cond3A_90 = arith.cmpi ne, %convert_element_type3A_88, %cond3A_89 : i32
      scf.if %cond3A_90 {
        "tpu.region"() ({
          %run_scoped3A = tpu.sem_alloc : memref<!tpu.dma_semaphore, #tpu.memory_space<semaphore_mem>>
          %dma_start3A_91 = arith.constant 9600 : i32
          %dma_start3A_92 = arith.constant 0 : i32
          %dma_start3A_93 = tpu.memref_slice %arg11[%dma_start3A_91, %dma_start3A_92] : memref<10240x128xf32, #tpu.memory_space<vmem_shared>> -> memref<400x128xf32, #tpu.memory_space<vmem_shared>>
          %dma_start3A_94 = arith.constant 9600 : i32
          %dma_start3A_95 = arith.constant 0 : i32
          %dma_start3A_96 = tpu.memref_slice %arg2[%dma_start3A_94, %dma_start3A_95] : memref<10000x128xf32, #tpu.memory_space<hbm>> -> memref<400x128xf32, #tpu.memory_space<hbm>>
          tpu.enqueue_dma source(%dma_start3A_96 : memref<400x128xf32, #tpu.memory_space<hbm>>) target(%dma_start3A_93 : memref<400x128xf32, #tpu.memory_space<vmem_shared>>) target_semaphore(%run_scoped3A : memref<!tpu.dma_semaphore, #tpu.memory_space<semaphore_mem>>)
          %dma_wait3A = arith.constant 9600 : i32
          %dma_wait3A_97 = arith.constant 0 : i32
          %dma_wait3A_98 = tpu.memref_slice %arg11[%dma_wait3A, %dma_wait3A_97] : memref<10240x128xf32, #tpu.memory_space<vmem_shared>> -> memref<400x128xf32, #tpu.memory_space<vmem_shared>>
          %dma_wait3A_99 = arith.constant 9600 : i32
          %dma_wait3A_100 = arith.constant 0 : i32
          %dma_wait3A_101 = tpu.memref_slice %arg2[%dma_wait3A_99, %dma_wait3A_100] : memref<10000x128xf32, #tpu.memory_space<hbm>> -> memref<400x128xf32, #tpu.memory_space<hbm>>
          tpu.wait_dma2 semaphore(%run_scoped3A : memref<!tpu.dma_semaphore, #tpu.memory_space<semaphore_mem>>) src(%dma_wait3A_101 : memref<400x128xf32, #tpu.memory_space<hbm>>) dst(%dma_wait3A_98 : memref<400x128xf32, #tpu.memory_space<vmem_shared>>)
          tpu.yield
        }) : () -> ()
        "tpu.region"() ({
          %run_scoped3A = tpu.sem_alloc : memref<!tpu.dma_semaphore, #tpu.memory_space<semaphore_mem>>
          %dma_start3A_91 = arith.constant 10000 : i32
          %dma_start3A_92 = arith.constant 0 : i32
          %dma_start3A_93 = tpu.memref_slice %arg11[%dma_start3A_91, %dma_start3A_92] : memref<10240x128xf32, #tpu.memory_space<vmem_shared>> -> memref<240x128xf32, #tpu.memory_space<vmem_shared>>
          %dma_start3A_94 = arith.constant 0 : i32
          %dma_start3A_95 = arith.constant 0 : i32
          %dma_start3A_96 = tpu.memref_slice %arg5[%dma_start3A_94, %dma_start3A_95] : memref<640x128xf32, #tpu.memory_space<hbm>> -> memref<240x128xf32, #tpu.memory_space<hbm>>
          tpu.enqueue_dma source(%dma_start3A_96 : memref<240x128xf32, #tpu.memory_space<hbm>>) target(%dma_start3A_93 : memref<240x128xf32, #tpu.memory_space<vmem_shared>>) target_semaphore(%run_scoped3A : memref<!tpu.dma_semaphore, #tpu.memory_space<semaphore_mem>>)
          %dma_wait3A = arith.constant 10000 : i32
          %dma_wait3A_97 = arith.constant 0 : i32
          %dma_wait3A_98 = tpu.memref_slice %arg11[%dma_wait3A, %dma_wait3A_97] : memref<10240x128xf32, #tpu.memory_space<vmem_shared>> -> memref<240x128xf32, #tpu.memory_space<vmem_shared>>
          %dma_wait3A_99 = arith.constant 0 : i32
          %dma_wait3A_100 = arith.constant 0 : i32
          %dma_wait3A_101 = tpu.memref_slice %arg5[%dma_wait3A_99, %dma_wait3A_100] : memref<640x128xf32, #tpu.memory_space<hbm>> -> memref<240x128xf32, #tpu.memory_space<hbm>>
          tpu.wait_dma2 semaphore(%run_scoped3A : memref<!tpu.dma_semaphore, #tpu.memory_space<semaphore_mem>>) src(%dma_wait3A_101 : memref<240x128xf32, #tpu.memory_space<hbm>>) dst(%dma_wait3A_98 : memref<240x128xf32, #tpu.memory_space<vmem_shared>>)
          tpu.yield
        }) : () -> ()
      } else {
      }
    } else {
    }
    %ne3A = arith.constant 0 : i32
    %ne3A_32 = arith.cmpi ne, %arg0, %ne3A : i32
    %convert_element_type3A_33 = arith.extui %ne3A_32 : i1 to i32
    %cond3A_34 = arith.constant 0 : i32
    %cond3A_35 = arith.cmpi ne, %convert_element_type3A_33, %cond3A_34 : i32
    scf.if %cond3A_35 {
      %mul3A_82 = arith.constant 640 : i32
      %mul3A_83 = arith.muli %arg1, %mul3A_82 : i32
      "tpu.region"() ({
        %run_scoped3A = tpu.sem_alloc : memref<!tpu.dma_semaphore, #tpu.memory_space<semaphore_mem>>
        %dma_start3A_84 = arith.constant 0 : i32
        %dma_start3A_85 = tpu.memref_slice %arg11[%mul3A_83, %dma_start3A_84] : memref<10240x128xf32, #tpu.memory_space<vmem_shared>> -> memref<640x128xf32, #tpu.memory_space<vmem_shared>>
        tpu.enqueue_dma source(%arg5 : memref<640x128xf32, #tpu.memory_space<hbm>>) target(%dma_start3A_85 : memref<640x128xf32, #tpu.memory_space<vmem_shared>>) target_semaphore(%run_scoped3A : memref<!tpu.dma_semaphore, #tpu.memory_space<semaphore_mem>>)
        %dma_wait3A = arith.constant 0 : i32
        %dma_wait3A_86 = tpu.memref_slice %arg11[%mul3A_83, %dma_wait3A] : memref<10240x128xf32, #tpu.memory_space<vmem_shared>> -> memref<640x128xf32, #tpu.memory_space<vmem_shared>>
        tpu.wait_dma2 semaphore(%run_scoped3A : memref<!tpu.dma_semaphore, #tpu.memory_space<semaphore_mem>>) src(%arg5 : memref<640x128xf32, #tpu.memory_space<hbm>>) dst(%dma_wait3A_86 : memref<640x128xf32, #tpu.memory_space<vmem_shared>>)
        tpu.yield
      }) : () -> ()
    } else {
    }
    %barrier3A = arith.constant 0 : index
    tpu.barrier barrier_id(%barrier3A)
    %scan3A = arith.constant 0 : i32
    %scan3A_36 = arith.constant 0 : i32
    %scan3A_37 = arith.constant 80 : i32
    %scan3A_38 = arith.addi %scan3A_36, %scan3A_37 : i32
    %scan3A_39 = arith.constant 1 : i32
    scf.for %scan3A_82 = %scan3A_36 to %scan3A_38 step %scan3A_39  : i32 {
      %rem3A = arith.constant 3 : i32
      %rem3A_83 = arith.remsi %scan3A_82, %rem3A : i32
      %add3A_84 = arith.constant 2 : i32
      %add3A_85 = arith.addi %scan3A_82, %add3A_84 : i32
      %rem3A_86 = arith.constant 3 : i32
      %rem3A_87 = arith.remsi %add3A_85, %rem3A_86 : i32
      %add3A_88 = arith.constant 2 : i32
      %add3A_89 = arith.addi %scan3A_82, %add3A_88 : i32
      %lt3A = arith.constant 80 : i32
      %lt3A_90 = arith.cmpi slt, %add3A_89, %lt3A : i32
      %convert_element_type3A_91 = arith.extui %lt3A_90 : i1 to i32
      %cond3A_92 = arith.constant 0 : i32
      %cond3A_93 = arith.cmpi ne, %convert_element_type3A_91, %cond3A_92 : i32
      scf.if %cond3A_93 {
        %add3A_105 = arith.constant 2 : i32
        %add3A_106 = arith.addi %scan3A_82, %add3A_105 : i32
        %dma_start3A_107 = arith.constant 0 : i32
        %dma_start3A_108 = arith.constant 0 : i32
        %dma_start3A_109 = tpu.memref_slice %arg9[%rem3A_87, %dma_start3A_107, %dma_start3A_108] : memref<3x64x128xf32, #tpu.memory_space<vmem>> -> memref<1x64x128xf32, #tpu.memory_space<vmem>>
        %dma_start3A_110 = tpu.memref_squeeze %dma_start3A_109 : memref<1x64x128xf32, #tpu.memory_space<vmem>> -> memref<64x128xf32, #tpu.memory_space<vmem>>
        %dma_start3A_111 = arith.constant 0 : i32
        %dma_start3A_112 = tpu.memref_slice %arg7[%add3A_106, %dma_start3A_111] : memref<80x64xi32, #tpu.memory_space<vmem>> -> memref<1x64xi32, #tpu.memory_space<vmem>>
        %dma_start3A_113 = tpu.memref_squeeze %dma_start3A_112 : memref<1x64xi32, #tpu.memory_space<vmem>> -> memref<64xi32, #tpu.memory_space<vmem>>
        %dma_start3A_114 = arith.constant 0 : i32
        %dma_start3A_115 = arith.constant 0 : i32
        %dma_start3A_116 = tpu.memref_slice %arg2[%dma_start3A_114, %dma_start3A_115] : memref<10000x128xf32, #tpu.memory_space<hbm>> -> memref<10000x128xf32, #tpu.memory_space<hbm>>
        %dma_start3A_117 = tpu.memref_slice %arg10[%rem3A_87] : memref<3x!tpu.dma_semaphore, #tpu.memory_space<semaphore_mem>> -> memref<1x!tpu.dma_semaphore, #tpu.memory_space<semaphore_mem>>
        %dma_start3A_118 = tpu.memref_squeeze %dma_start3A_117 : memref<1x!tpu.dma_semaphore, #tpu.memory_space<semaphore_mem>> -> memref<!tpu.dma_semaphore, #tpu.memory_space<semaphore_mem>>
        tpu.enqueue_indirect_dma source(%dma_start3A_116 : memref<10000x128xf32, #tpu.memory_space<hbm>>) target(%dma_start3A_110 : memref<64x128xf32, #tpu.memory_space<vmem>>) offsets(%dma_start3A_113 : memref<64xi32, #tpu.memory_space<vmem>>) semaphore(%dma_start3A_118 : memref<!tpu.dma_semaphore, #tpu.memory_space<semaphore_mem>>)
      } else {
      }
      %dma_wait3A = arith.constant 0 : i32
      %dma_wait3A_94 = arith.constant 0 : i32
      %dma_wait3A_95 = tpu.memref_slice %arg9[%rem3A_83, %dma_wait3A, %dma_wait3A_94] : memref<3x64x128xf32, #tpu.memory_space<vmem>> -> memref<1x64x128xf32, #tpu.memory_space<vmem>>
      %dma_wait3A_96 = tpu.memref_squeeze %dma_wait3A_95 : memref<1x64x128xf32, #tpu.memory_space<vmem>> -> memref<64x128xf32, #tpu.memory_space<vmem>>
      %dma_wait3A_97 = arith.constant 0 : i32
      %dma_wait3A_98 = tpu.memref_slice %arg7[%scan3A_82, %dma_wait3A_97] : memref<80x64xi32, #tpu.memory_space<vmem>> -> memref<1x64xi32, #tpu.memory_space<vmem>>
      %dma_wait3A_99 = tpu.memref_squeeze %dma_wait3A_98 : memref<1x64xi32, #tpu.memory_space<vmem>> -> memref<64xi32, #tpu.memory_space<vmem>>
      %dma_wait3A_100 = arith.constant 0 : i32
      %dma_wait3A_101 = arith.constant 0 : i32
      %dma_wait3A_102 = tpu.memref_slice %arg2[%dma_wait3A_100, %dma_wait3A_101] : memref<10000x128xf32, #tpu.memory_space<hbm>> -> memref<10000x128xf32, #tpu.memory_space<hbm>>
      %dma_wait3A_103 = tpu.memref_slice %arg10[%rem3A_83] : memref<3x!tpu.dma_semaphore, #tpu.memory_space<semaphore_mem>> -> memref<1x!tpu.dma_semaphore, #tpu.memory_space<semaphore_mem>>
      %dma_wait3A_104 = tpu.memref_squeeze %dma_wait3A_103 : memref<1x!tpu.dma_semaphore, #tpu.memory_space<semaphore_mem>> -> memref<!tpu.dma_semaphore, #tpu.memory_space<semaphore_mem>>
      tpu.wait_indirect_dma semaphore(%dma_wait3A_104 : memref<!tpu.dma_semaphore, #tpu.memory_space<semaphore_mem>>) src(%dma_wait3A_102 : memref<10000x128xf32, #tpu.memory_space<hbm>>) dst(%dma_wait3A_96 : memref<64x128xf32, #tpu.memory_space<vmem>>)
      "tpu.region"() ({
        %run_scoped3A = tpu.sem_alloc : memref<!tpu.dma_semaphore, #tpu.memory_space<semaphore_mem>>
        %dma_start3A_105 = arith.constant 0 : i32
        %dma_start3A_106 = arith.constant 0 : i32
        %dma_start3A_107 = tpu.memref_slice %arg9[%rem3A_83, %dma_start3A_105, %dma_start3A_106] : memref<3x64x128xf32, #tpu.memory_space<vmem>> -> memref<1x64x128xf32, #tpu.memory_space<vmem>>
        %dma_start3A_108 = tpu.memref_squeeze %dma_start3A_107 : memref<1x64x128xf32, #tpu.memory_space<vmem>> -> memref<64x128xf32, #tpu.memory_space<vmem>>
        %dma_start3A_109 = arith.constant 0 : i32
        %dma_start3A_110 = tpu.memref_slice %arg8[%scan3A_82, %dma_start3A_109] : memref<80x64xi32, #tpu.memory_space<vmem>> -> memref<1x64xi32, #tpu.memory_space<vmem>>
        %dma_start3A_111 = tpu.memref_squeeze %dma_start3A_110 : memref<1x64xi32, #tpu.memory_space<vmem>> -> memref<64xi32, #tpu.memory_space<vmem>>
        %dma_start3A_112 = arith.constant 0 : i32
        %dma_start3A_113 = arith.constant 0 : i32
        %dma_start3A_114 = tpu.memref_slice %arg11[%dma_start3A_112, %dma_start3A_113] : memref<10240x128xf32, #tpu.memory_space<vmem_shared>> -> memref<10240x128xf32, #tpu.memory_space<vmem_shared>>
        tpu.enqueue_indirect_dma source(%dma_start3A_108 : memref<64x128xf32, #tpu.memory_space<vmem>>) target(%dma_start3A_114 : memref<10240x128xf32, #tpu.memory_space<vmem_shared>>) offsets(%dma_start3A_111 : memref<64xi32, #tpu.memory_space<vmem>>) semaphore(%run_scoped3A : memref<!tpu.dma_semaphore, #tpu.memory_space<semaphore_mem>>) {add = true}
        %dma_wait3A_115 = arith.constant 0 : i32
        %dma_wait3A_116 = arith.constant 0 : i32
        %dma_wait3A_117 = tpu.memref_slice %arg9[%rem3A_83, %dma_wait3A_115, %dma_wait3A_116] : memref<3x64x128xf32, #tpu.memory_space<vmem>> -> memref<1x64x128xf32, #tpu.memory_space<vmem>>
        %dma_wait3A_118 = tpu.memref_squeeze %dma_wait3A_117 : memref<1x64x128xf32, #tpu.memory_space<vmem>> -> memref<64x128xf32, #tpu.memory_space<vmem>>
        %dma_wait3A_119 = arith.constant 0 : i32
        %dma_wait3A_120 = tpu.memref_slice %arg8[%scan3A_82, %dma_wait3A_119] : memref<80x64xi32, #tpu.memory_space<vmem>> -> memref<1x64xi32, #tpu.memory_space<vmem>>
        %dma_wait3A_121 = tpu.memref_squeeze %dma_wait3A_120 : memref<1x64xi32, #tpu.memory_space<vmem>> -> memref<64xi32, #tpu.memory_space<vmem>>
        %dma_wait3A_122 = arith.constant 0 : i32
        %dma_wait3A_123 = arith.constant 0 : i32
        %dma_wait3A_124 = tpu.memref_slice %arg11[%dma_wait3A_122, %dma_wait3A_123] : memref<10240x128xf32, #tpu.memory_space<vmem_shared>> -> memref<10240x128xf32, #tpu.memory_space<vmem_shared>>
        tpu.wait_indirect_dma semaphore(%run_scoped3A : memref<!tpu.dma_semaphore, #tpu.memory_space<semaphore_mem>>) src(%dma_wait3A_118 : memref<64x128xf32, #tpu.memory_space<vmem>>) dst(%dma_wait3A_124 : memref<10240x128xf32, #tpu.memory_space<vmem_shared>>)
        tpu.yield
      }) : () -> ()
    }
    %scan3A_40 = arith.constant 80 : i32
    "tpu.region"() ({
      %run_scoped3A = tpu.sem_alloc : memref<!tpu.dma_semaphore, #tpu.memory_space<semaphore_mem>>
      %dma_start3A_82 = arith.constant 0 : i32
      %dma_start3A_83 = arith.constant 0 : i32
      %dma_start3A_84 = tpu.memref_slice %arg7[%dma_start3A_82, %dma_start3A_83] : memref<80x64xi32, #tpu.memory_space<vmem>> -> memref<80x64xi32, #tpu.memory_space<vmem>>
      %dma_start3A_85 = arith.constant 80 : i32
      %dma_start3A_86 = arith.constant 0 : i32
      %dma_start3A_87 = tpu.memref_slice %arg3[%add3A, %dma_start3A_85, %dma_start3A_86] : memref<32x160x64xi32, #tpu.memory_space<hbm>> -> memref<1x80x64xi32, #tpu.memory_space<hbm>>
      %dma_start3A_88 = tpu.memref_squeeze %dma_start3A_87 : memref<1x80x64xi32, #tpu.memory_space<hbm>> -> memref<80x64xi32, #tpu.memory_space<hbm>>
      %dma_start3A_89 = arith.constant 0 : i32
      %dma_start3A_90 = arith.constant 0 : i32
      %dma_start3A_91 = tpu.memref_slice %arg7[%dma_start3A_89, %dma_start3A_90] : memref<80x64xi32, #tpu.memory_space<vmem>> -> memref<80x64xi32, #tpu.memory_space<vmem>>
      %dma_start3A_92 = arith.constant 80 : i32
      %dma_start3A_93 = arith.constant 0 : i32
      %dma_start3A_94 = tpu.memref_slice %arg3[%add3A, %dma_start3A_92, %dma_start3A_93] : memref<32x160x64xi32, #tpu.memory_space<hbm>> -> memref<1x80x64xi32, #tpu.memory_space<hbm>>
      %dma_start3A_95 = tpu.memref_squeeze %dma_start3A_94 : memref<1x80x64xi32, #tpu.memory_space<hbm>> -> memref<80x64xi32, #tpu.memory_space<hbm>>
      tpu.enqueue_dma source(%dma_start3A_95 : memref<80x64xi32, #tpu.memory_space<hbm>>) target(%dma_start3A_91 : memref<80x64xi32, #tpu.memory_space<vmem>>) target_semaphore(%run_scoped3A : memref<!tpu.dma_semaphore, #tpu.memory_space<semaphore_mem>>)
      %dma_wait3A = arith.constant 0 : i32
      %dma_wait3A_96 = arith.constant 0 : i32
      %dma_wait3A_97 = tpu.memref_slice %arg7[%dma_wait3A, %dma_wait3A_96] : memref<80x64xi32, #tpu.memory_space<vmem>> -> memref<80x64xi32, #tpu.memory_space<vmem>>
      %dma_wait3A_98 = arith.constant 80 : i32
      %dma_wait3A_99 = arith.constant 0 : i32
      %dma_wait3A_100 = tpu.memref_slice %arg3[%add3A, %dma_wait3A_98, %dma_wait3A_99] : memref<32x160x64xi32, #tpu.memory_space<hbm>> -> memref<1x80x64xi32, #tpu.memory_space<hbm>>
      %dma_wait3A_101 = tpu.memref_squeeze %dma_wait3A_100 : memref<1x80x64xi32, #tpu.memory_space<hbm>> -> memref<80x64xi32, #tpu.memory_space<hbm>>
      %dma_wait3A_102 = arith.constant 0 : i32
      %dma_wait3A_103 = arith.constant 0 : i32
      %dma_wait3A_104 = tpu.memref_slice %arg7[%dma_wait3A_102, %dma_wait3A_103] : memref<80x64xi32, #tpu.memory_space<vmem>> -> memref<80x64xi32, #tpu.memory_space<vmem>>
      %dma_wait3A_105 = arith.constant 80 : i32
      %dma_wait3A_106 = arith.constant 0 : i32
      %dma_wait3A_107 = tpu.memref_slice %arg3[%add3A, %dma_wait3A_105, %dma_wait3A_106] : memref<32x160x64xi32, #tpu.memory_space<hbm>> -> memref<1x80x64xi32, #tpu.memory_space<hbm>>
      %dma_wait3A_108 = tpu.memref_squeeze %dma_wait3A_107 : memref<1x80x64xi32, #tpu.memory_space<hbm>> -> memref<80x64xi32, #tpu.memory_space<hbm>>
      tpu.wait_dma2 semaphore(%run_scoped3A : memref<!tpu.dma_semaphore, #tpu.memory_space<semaphore_mem>>) src(%dma_wait3A_108 : memref<80x64xi32, #tpu.memory_space<hbm>>) dst(%dma_wait3A_104 : memref<80x64xi32, #tpu.memory_space<vmem>>)
      tpu.yield
    }) : () -> ()
    "tpu.region"() ({
      %run_scoped3A = tpu.sem_alloc : memref<!tpu.dma_semaphore, #tpu.memory_space<semaphore_mem>>
      %dma_start3A_82 = arith.constant 0 : i32
      %dma_start3A_83 = arith.constant 0 : i32
      %dma_start3A_84 = tpu.memref_slice %arg8[%dma_start3A_82, %dma_start3A_83] : memref<80x64xi32, #tpu.memory_space<vmem>> -> memref<80x64xi32, #tpu.memory_space<vmem>>
      %dma_start3A_85 = arith.constant 80 : i32
      %dma_start3A_86 = arith.constant 0 : i32
      %dma_start3A_87 = tpu.memref_slice %arg4[%add3A, %dma_start3A_85, %dma_start3A_86] : memref<32x160x64xi32, #tpu.memory_space<hbm>> -> memref<1x80x64xi32, #tpu.memory_space<hbm>>
      %dma_start3A_88 = tpu.memref_squeeze %dma_start3A_87 : memref<1x80x64xi32, #tpu.memory_space<hbm>> -> memref<80x64xi32, #tpu.memory_space<hbm>>
      %dma_start3A_89 = arith.constant 0 : i32
      %dma_start3A_90 = arith.constant 0 : i32
      %dma_start3A_91 = tpu.memref_slice %arg8[%dma_start3A_89, %dma_start3A_90] : memref<80x64xi32, #tpu.memory_space<vmem>> -> memref<80x64xi32, #tpu.memory_space<vmem>>
      %dma_start3A_92 = arith.constant 80 : i32
      %dma_start3A_93 = arith.constant 0 : i32
      %dma_start3A_94 = tpu.memref_slice %arg4[%add3A, %dma_start3A_92, %dma_start3A_93] : memref<32x160x64xi32, #tpu.memory_space<hbm>> -> memref<1x80x64xi32, #tpu.memory_space<hbm>>
      %dma_start3A_95 = tpu.memref_squeeze %dma_start3A_94 : memref<1x80x64xi32, #tpu.memory_space<hbm>> -> memref<80x64xi32, #tpu.memory_space<hbm>>
      tpu.enqueue_dma source(%dma_start3A_95 : memref<80x64xi32, #tpu.memory_space<hbm>>) target(%dma_start3A_91 : memref<80x64xi32, #tpu.memory_space<vmem>>) target_semaphore(%run_scoped3A : memref<!tpu.dma_semaphore, #tpu.memory_space<semaphore_mem>>)
      %dma_wait3A = arith.constant 0 : i32
      %dma_wait3A_96 = arith.constant 0 : i32
      %dma_wait3A_97 = tpu.memref_slice %arg8[%dma_wait3A, %dma_wait3A_96] : memref<80x64xi32, #tpu.memory_space<vmem>> -> memref<80x64xi32, #tpu.memory_space<vmem>>
      %dma_wait3A_98 = arith.constant 80 : i32
      %dma_wait3A_99 = arith.constant 0 : i32
      %dma_wait3A_100 = tpu.memref_slice %arg4[%add3A, %dma_wait3A_98, %dma_wait3A_99] : memref<32x160x64xi32, #tpu.memory_space<hbm>> -> memref<1x80x64xi32, #tpu.memory_space<hbm>>
      %dma_wait3A_101 = tpu.memref_squeeze %dma_wait3A_100 : memref<1x80x64xi32, #tpu.memory_space<hbm>> -> memref<80x64xi32, #tpu.memory_space<hbm>>
      %dma_wait3A_102 = arith.constant 0 : i32
      %dma_wait3A_103 = arith.constant 0 : i32
      %dma_wait3A_104 = tpu.memref_slice %arg8[%dma_wait3A_102, %dma_wait3A_103] : memref<80x64xi32, #tpu.memory_space<vmem>> -> memref<80x64xi32, #tpu.memory_space<vmem>>
      %dma_wait3A_105 = arith.constant 80 : i32
      %dma_wait3A_106 = arith.constant 0 : i32
      %dma_wait3A_107 = tpu.memref_slice %arg4[%add3A, %dma_wait3A_105, %dma_wait3A_106] : memref<32x160x64xi32, #tpu.memory_space<hbm>> -> memref<1x80x64xi32, #tpu.memory_space<hbm>>
      %dma_wait3A_108 = tpu.memref_squeeze %dma_wait3A_107 : memref<1x80x64xi32, #tpu.memory_space<hbm>> -> memref<80x64xi32, #tpu.memory_space<hbm>>
      tpu.wait_dma2 semaphore(%run_scoped3A : memref<!tpu.dma_semaphore, #tpu.memory_space<semaphore_mem>>) src(%dma_wait3A_108 : memref<80x64xi32, #tpu.memory_space<hbm>>) dst(%dma_wait3A_104 : memref<80x64xi32, #tpu.memory_space<vmem>>)
      tpu.yield
    }) : () -> ()
    %dma_start3A_41 = arith.constant 0 : i32
    %dma_start3A_42 = arith.constant 0 : i32
    %dma_start3A_43 = arith.constant 0 : i32
    %dma_start3A_44 = arith.constant 0 : i32
    %dma_start3A_45 = arith.constant 0 : i32
    %dma_start3A_46 = tpu.memref_slice %arg9[%dma_start3A_42, %dma_start3A_44, %dma_start3A_45] : memref<3x64x128xf32, #tpu.memory_space<vmem>> -> memref<1x64x128xf32, #tpu.memory_space<vmem>>
    %dma_start3A_47 = tpu.memref_squeeze %dma_start3A_46 : memref<1x64x128xf32, #tpu.memory_space<vmem>> -> memref<64x128xf32, #tpu.memory_space<vmem>>
    %dma_start3A_48 = arith.constant 0 : i32
    %dma_start3A_49 = tpu.memref_slice %arg7[%dma_start3A_41, %dma_start3A_48] : memref<80x64xi32, #tpu.memory_space<vmem>> -> memref<1x64xi32, #tpu.memory_space<vmem>>
    %dma_start3A_50 = tpu.memref_squeeze %dma_start3A_49 : memref<1x64xi32, #tpu.memory_space<vmem>> -> memref<64xi32, #tpu.memory_space<vmem>>
    %dma_start3A_51 = arith.constant 0 : i32
    %dma_start3A_52 = arith.constant 0 : i32
    %dma_start3A_53 = tpu.memref_slice %arg2[%dma_start3A_51, %dma_start3A_52] : memref<10000x128xf32, #tpu.memory_space<hbm>> -> memref<10000x128xf32, #tpu.memory_space<hbm>>
    %dma_start3A_54 = tpu.memref_slice %arg10[%dma_start3A_43] : memref<3x!tpu.dma_semaphore, #tpu.memory_space<semaphore_mem>> -> memref<1x!tpu.dma_semaphore, #tpu.memory_space<semaphore_mem>>
    %dma_start3A_55 = tpu.memref_squeeze %dma_start3A_54 : memref<1x!tpu.dma_semaphore, #tpu.memory_space<semaphore_mem>> -> memref<!tpu.dma_semaphore, #tpu.memory_space<semaphore_mem>>
    tpu.enqueue_indirect_dma source(%dma_start3A_53 : memref<10000x128xf32, #tpu.memory_space<hbm>>) target(%dma_start3A_47 : memref<64x128xf32, #tpu.memory_space<vmem>>) offsets(%dma_start3A_50 : memref<64xi32, #tpu.memory_space<vmem>>) semaphore(%dma_start3A_55 : memref<!tpu.dma_semaphore, #tpu.memory_space<semaphore_mem>>)
    %dma_start3A_56 = arith.constant 1 : i32
    %dma_start3A_57 = arith.constant 1 : i32
    %dma_start3A_58 = arith.constant 1 : i32
    %dma_start3A_59 = arith.constant 0 : i32
    %dma_start3A_60 = arith.constant 0 : i32
    %dma_start3A_61 = tpu.memref_slice %arg9[%dma_start3A_57, %dma_start3A_59, %dma_start3A_60] : memref<3x64x128xf32, #tpu.memory_space<vmem>> -> memref<1x64x128xf32, #tpu.memory_space<vmem>>
    %dma_start3A_62 = tpu.memref_squeeze %dma_start3A_61 : memref<1x64x128xf32, #tpu.memory_space<vmem>> -> memref<64x128xf32, #tpu.memory_space<vmem>>
    %dma_start3A_63 = arith.constant 0 : i32
    %dma_start3A_64 = tpu.memref_slice %arg7[%dma_start3A_56, %dma_start3A_63] : memref<80x64xi32, #tpu.memory_space<vmem>> -> memref<1x64xi32, #tpu.memory_space<vmem>>
    %dma_start3A_65 = tpu.memref_squeeze %dma_start3A_64 : memref<1x64xi32, #tpu.memory_space<vmem>> -> memref<64xi32, #tpu.memory_space<vmem>>
    %dma_start3A_66 = arith.constant 0 : i32
    %dma_start3A_67 = arith.constant 0 : i32
    %dma_start3A_68 = tpu.memref_slice %arg2[%dma_start3A_66, %dma_start3A_67] : memref<10000x128xf32, #tpu.memory_space<hbm>> -> memref<10000x128xf32, #tpu.memory_space<hbm>>
    %dma_start3A_69 = tpu.memref_slice %arg10[%dma_start3A_58] : memref<3x!tpu.dma_semaphore, #tpu.memory_space<semaphore_mem>> -> memref<1x!tpu.dma_semaphore, #tpu.memory_space<semaphore_mem>>
    %dma_start3A_70 = tpu.memref_squeeze %dma_start3A_69 : memref<1x!tpu.dma_semaphore, #tpu.memory_space<semaphore_mem>> -> memref<!tpu.dma_semaphore, #tpu.memory_space<semaphore_mem>>
    tpu.enqueue_indirect_dma source(%dma_start3A_68 : memref<10000x128xf32, #tpu.memory_space<hbm>>) target(%dma_start3A_62 : memref<64x128xf32, #tpu.memory_space<vmem>>) offsets(%dma_start3A_65 : memref<64xi32, #tpu.memory_space<vmem>>) semaphore(%dma_start3A_70 : memref<!tpu.dma_semaphore, #tpu.memory_space<semaphore_mem>>)
    %scan3A_71 = arith.constant 0 : i32
    %scan3A_72 = arith.constant 0 : i32
    %scan3A_73 = arith.constant 80 : i32
    %scan3A_74 = arith.addi %scan3A_72, %scan3A_73 : i32
    %scan3A_75 = arith.constant 1 : i32
    scf.for %scan3A_82 = %scan3A_72 to %scan3A_74 step %scan3A_75  : i32 {
      %rem3A = arith.constant 3 : i32
      %rem3A_83 = arith.remsi %scan3A_82, %rem3A : i32
      %add3A_84 = arith.constant 2 : i32
      %add3A_85 = arith.addi %scan3A_82, %add3A_84 : i32
      %rem3A_86 = arith.constant 3 : i32
      %rem3A_87 = arith.remsi %add3A_85, %rem3A_86 : i32
      %add3A_88 = arith.constant 2 : i32
      %add3A_89 = arith.addi %scan3A_82, %add3A_88 : i32
      %lt3A = arith.constant 80 : i32
      %lt3A_90 = arith.cmpi slt, %add3A_89, %lt3A : i32
      %convert_element_type3A_91 = arith.extui %lt3A_90 : i1 to i32
      %cond3A_92 = arith.constant 0 : i32
      %cond3A_93 = arith.cmpi ne, %convert_element_type3A_91, %cond3A_92 : i32
      scf.if %cond3A_93 {
        %add3A_105 = arith.constant 2 : i32
        %add3A_106 = arith.addi %scan3A_82, %add3A_105 : i32
        %dma_start3A_107 = arith.constant 0 : i32
        %dma_start3A_108 = arith.constant 0 : i32
        %dma_start3A_109 = tpu.memref_slice %arg9[%rem3A_87, %dma_start3A_107, %dma_start3A_108] : memref<3x64x128xf32, #tpu.memory_space<vmem>> -> memref<1x64x128xf32, #tpu.memory_space<vmem>>
        %dma_start3A_110 = tpu.memref_squeeze %dma_start3A_109 : memref<1x64x128xf32, #tpu.memory_space<vmem>> -> memref<64x128xf32, #tpu.memory_space<vmem>>
        %dma_start3A_111 = arith.constant 0 : i32
        %dma_start3A_112 = tpu.memref_slice %arg7[%add3A_106, %dma_start3A_111] : memref<80x64xi32, #tpu.memory_space<vmem>> -> memref<1x64xi32, #tpu.memory_space<vmem>>
        %dma_start3A_113 = tpu.memref_squeeze %dma_start3A_112 : memref<1x64xi32, #tpu.memory_space<vmem>> -> memref<64xi32, #tpu.memory_space<vmem>>
        %dma_start3A_114 = arith.constant 0 : i32
        %dma_start3A_115 = arith.constant 0 : i32
        %dma_start3A_116 = tpu.memref_slice %arg2[%dma_start3A_114, %dma_start3A_115] : memref<10000x128xf32, #tpu.memory_space<hbm>> -> memref<10000x128xf32, #tpu.memory_space<hbm>>
        %dma_start3A_117 = tpu.memref_slice %arg10[%rem3A_87] : memref<3x!tpu.dma_semaphore, #tpu.memory_space<semaphore_mem>> -> memref<1x!tpu.dma_semaphore, #tpu.memory_space<semaphore_mem>>
        %dma_start3A_118 = tpu.memref_squeeze %dma_start3A_117 : memref<1x!tpu.dma_semaphore, #tpu.memory_space<semaphore_mem>> -> memref<!tpu.dma_semaphore, #tpu.memory_space<semaphore_mem>>
        tpu.enqueue_indirect_dma source(%dma_start3A_116 : memref<10000x128xf32, #tpu.memory_space<hbm>>) target(%dma_start3A_110 : memref<64x128xf32, #tpu.memory_space<vmem>>) offsets(%dma_start3A_113 : memref<64xi32, #tpu.memory_space<vmem>>) semaphore(%dma_start3A_118 : memref<!tpu.dma_semaphore, #tpu.memory_space<semaphore_mem>>)
      } else {
      }
      %dma_wait3A = arith.constant 0 : i32
      %dma_wait3A_94 = arith.constant 0 : i32
      %dma_wait3A_95 = tpu.memref_slice %arg9[%rem3A_83, %dma_wait3A, %dma_wait3A_94] : memref<3x64x128xf32, #tpu.memory_space<vmem>> -> memref<1x64x128xf32, #tpu.memory_space<vmem>>
      %dma_wait3A_96 = tpu.memref_squeeze %dma_wait3A_95 : memref<1x64x128xf32, #tpu.memory_space<vmem>> -> memref<64x128xf32, #tpu.memory_space<vmem>>
      %dma_wait3A_97 = arith.constant 0 : i32
      %dma_wait3A_98 = tpu.memref_slice %arg7[%scan3A_82, %dma_wait3A_97] : memref<80x64xi32, #tpu.memory_space<vmem>> -> memref<1x64xi32, #tpu.memory_space<vmem>>
      %dma_wait3A_99 = tpu.memref_squeeze %dma_wait3A_98 : memref<1x64xi32, #tpu.memory_space<vmem>> -> memref<64xi32, #tpu.memory_space<vmem>>
      %dma_wait3A_100 = arith.constant 0 : i32
      %dma_wait3A_101 = arith.constant 0 : i32
      %dma_wait3A_102 = tpu.memref_slice %arg2[%dma_wait3A_100, %dma_wait3A_101] : memref<10000x128xf32, #tpu.memory_space<hbm>> -> memref<10000x128xf32, #tpu.memory_space<hbm>>
      %dma_wait3A_103 = tpu.memref_slice %arg10[%rem3A_83] : memref<3x!tpu.dma_semaphore, #tpu.memory_space<semaphore_mem>> -> memref<1x!tpu.dma_semaphore, #tpu.memory_space<semaphore_mem>>
      %dma_wait3A_104 = tpu.memref_squeeze %dma_wait3A_103 : memref<1x!tpu.dma_semaphore, #tpu.memory_space<semaphore_mem>> -> memref<!tpu.dma_semaphore, #tpu.memory_space<semaphore_mem>>
      tpu.wait_indirect_dma semaphore(%dma_wait3A_104 : memref<!tpu.dma_semaphore, #tpu.memory_space<semaphore_mem>>) src(%dma_wait3A_102 : memref<10000x128xf32, #tpu.memory_space<hbm>>) dst(%dma_wait3A_96 : memref<64x128xf32, #tpu.memory_space<vmem>>)
      "tpu.region"() ({
        %run_scoped3A = tpu.sem_alloc : memref<!tpu.dma_semaphore, #tpu.memory_space<semaphore_mem>>
        %dma_start3A_105 = arith.constant 0 : i32
        %dma_start3A_106 = arith.constant 0 : i32
        %dma_start3A_107 = tpu.memref_slice %arg9[%rem3A_83, %dma_start3A_105, %dma_start3A_106] : memref<3x64x128xf32, #tpu.memory_space<vmem>> -> memref<1x64x128xf32, #tpu.memory_space<vmem>>
        %dma_start3A_108 = tpu.memref_squeeze %dma_start3A_107 : memref<1x64x128xf32, #tpu.memory_space<vmem>> -> memref<64x128xf32, #tpu.memory_space<vmem>>
        %dma_start3A_109 = arith.constant 0 : i32
        %dma_start3A_110 = tpu.memref_slice %arg8[%scan3A_82, %dma_start3A_109] : memref<80x64xi32, #tpu.memory_space<vmem>> -> memref<1x64xi32, #tpu.memory_space<vmem>>
        %dma_start3A_111 = tpu.memref_squeeze %dma_start3A_110 : memref<1x64xi32, #tpu.memory_space<vmem>> -> memref<64xi32, #tpu.memory_space<vmem>>
        %dma_start3A_112 = arith.constant 0 : i32
        %dma_start3A_113 = arith.constant 0 : i32
        %dma_start3A_114 = tpu.memref_slice %arg11[%dma_start3A_112, %dma_start3A_113] : memref<10240x128xf32, #tpu.memory_space<vmem_shared>> -> memref<10240x128xf32, #tpu.memory_space<vmem_shared>>
        tpu.enqueue_indirect_dma source(%dma_start3A_108 : memref<64x128xf32, #tpu.memory_space<vmem>>) target(%dma_start3A_114 : memref<10240x128xf32, #tpu.memory_space<vmem_shared>>) offsets(%dma_start3A_111 : memref<64xi32, #tpu.memory_space<vmem>>) semaphore(%run_scoped3A : memref<!tpu.dma_semaphore, #tpu.memory_space<semaphore_mem>>) {add = true}
        %dma_wait3A_115 = arith.constant 0 : i32
        %dma_wait3A_116 = arith.constant 0 : i32
        %dma_wait3A_117 = tpu.memref_slice %arg9[%rem3A_83, %dma_wait3A_115, %dma_wait3A_116] : memref<3x64x128xf32, #tpu.memory_space<vmem>> -> memref<1x64x128xf32, #tpu.memory_space<vmem>>
        %dma_wait3A_118 = tpu.memref_squeeze %dma_wait3A_117 : memref<1x64x128xf32, #tpu.memory_space<vmem>> -> memref<64x128xf32, #tpu.memory_space<vmem>>
        %dma_wait3A_119 = arith.constant 0 : i32
        %dma_wait3A_120 = tpu.memref_slice %arg8[%scan3A_82, %dma_wait3A_119] : memref<80x64xi32, #tpu.memory_space<vmem>> -> memref<1x64xi32, #tpu.memory_space<vmem>>
        %dma_wait3A_121 = tpu.memref_squeeze %dma_wait3A_120 : memref<1x64xi32, #tpu.memory_space<vmem>> -> memref<64xi32, #tpu.memory_space<vmem>>
        %dma_wait3A_122 = arith.constant 0 : i32
        %dma_wait3A_123 = arith.constant 0 : i32
        %dma_wait3A_124 = tpu.memref_slice %arg11[%dma_wait3A_122, %dma_wait3A_123] : memref<10240x128xf32, #tpu.memory_space<vmem_shared>> -> memref<10240x128xf32, #tpu.memory_space<vmem_shared>>
        tpu.wait_indirect_dma semaphore(%run_scoped3A : memref<!tpu.dma_semaphore, #tpu.memory_space<semaphore_mem>>) src(%dma_wait3A_118 : memref<64x128xf32, #tpu.memory_space<vmem>>) dst(%dma_wait3A_124 : memref<10240x128xf32, #tpu.memory_space<vmem_shared>>)
        tpu.yield
      }) : () -> ()
    }
    %scan3A_76 = arith.constant 80 : i32
    %barrier3A_77 = arith.constant 0 : index
    tpu.barrier barrier_id(%barrier3A_77)
    %mul3A_78 = arith.constant 640 : i32
    %mul3A_79 = arith.muli %arg1, %mul3A_78 : i32
    %mul3A_80 = arith.constant 640 : i32
    %mul3A_81 = arith.muli %arg1, %mul3A_80 : i32
    "tpu.region"() ({
      %run_scoped3A = tpu.sem_alloc : memref<!tpu.dma_semaphore, #tpu.memory_space<semaphore_mem>>
      %dma_start3A_82 = arith.constant 0 : i32
      %dma_start3A_83 = tpu.memref_slice %arg6[%arg0, %mul3A_81, %dma_start3A_82] : memref<2x10240x128xf32, #tpu.memory_space<hbm>> -> memref<1x640x128xf32, #tpu.memory_space<hbm>>
      %dma_start3A_84 = tpu.memref_squeeze %dma_start3A_83 : memref<1x640x128xf32, #tpu.memory_space<hbm>> -> memref<640x128xf32, #tpu.memory_space<hbm>>
      %dma_start3A_85 = arith.constant 0 : i32
      %dma_start3A_86 = tpu.memref_slice %arg11[%mul3A_79, %dma_start3A_85] : memref<10240x128xf32, #tpu.memory_space<vmem_shared>> -> memref<640x128xf32, #tpu.memory_space<vmem_shared>>
      tpu.enqueue_dma source(%dma_start3A_86 : memref<640x128xf32, #tpu.memory_space<vmem_shared>>) target(%dma_start3A_84 : memref<640x128xf32, #tpu.memory_space<hbm>>) target_semaphore(%run_scoped3A : memref<!tpu.dma_semaphore, #tpu.memory_space<semaphore_mem>>)
      %dma_wait3A = arith.constant 0 : i32
      %dma_wait3A_87 = tpu.memref_slice %arg6[%arg0, %mul3A_81, %dma_wait3A] : memref<2x10240x128xf32, #tpu.memory_space<hbm>> -> memref<1x640x128xf32, #tpu.memory_space<hbm>>
      %dma_wait3A_88 = tpu.memref_squeeze %dma_wait3A_87 : memref<1x640x128xf32, #tpu.memory_space<hbm>> -> memref<640x128xf32, #tpu.memory_space<hbm>>
      %dma_wait3A_89 = arith.constant 0 : i32
      %dma_wait3A_90 = tpu.memref_slice %arg11[%mul3A_79, %dma_wait3A_89] : memref<10240x128xf32, #tpu.memory_space<vmem_shared>> -> memref<640x128xf32, #tpu.memory_space<vmem_shared>>
      tpu.wait_dma2 semaphore(%run_scoped3A : memref<!tpu.dma_semaphore, #tpu.memory_space<semaphore_mem>>) src(%dma_wait3A_90 : memref<640x128xf32, #tpu.memory_space<vmem_shared>>) dst(%dma_wait3A_88 : memref<640x128xf32, #tpu.memory_space<hbm>>)
      tpu.yield
    }) : () -> ()
    return
  }
}

module attributes {stable_mosaic.version = 14 : i64} {
  func.func @_mm_scale_body(%arg0: i32, %arg1: memref<1000x128xf32, #tpu.memory_space<vmem>>, %arg2: memref<128x128xf32, #tpu.memory_space<vmem>>, %arg3: memref<2x1000x128xf32, #tpu.memory_space<vmem>>, %arg4: memref<1000x128xf32, #tpu.memory_space<vmem>>) attributes {dimension_semantics = [#tpu.dimension_semantics<arbitrary>], iteration_bounds = array<i64: 10>, scalar_prefetch = 0 : i64, scratch_operands = 0 : i64, tpu.core_type = #tpu.core_type<tc>, window_params = [{transform_indices = @transform_0, window_bounds = array<i64: 1000, 128>}, {pipeline_mode = #tpu.pipeline_mode<synchronous>, transform_indices = @transform_1, window_bounds = array<i64: 128, 128>}, {transform_indices = @transform_2, window_bounds = array<i64: 2, 1000, 128>}, {transform_indices = @transform_3, window_bounds = array<i64: 1000, 128>}]} {
    %get3A = arith.constant 0 : index
    %get3A_0 = arith.constant 0 : index
    %get3A_1 = vector.load %arg1[%get3A, %get3A_0] : memref<1000x128xf32, #tpu.memory_space<vmem>>, vector<1000x128xf32>
    %get3A_2 = arith.constant 0 : index
    %get3A_3 = arith.constant 0 : index
    %get3A_4 = vector.load %arg2[%get3A_2, %get3A_3] : memref<128x128xf32, #tpu.memory_space<vmem>>, vector<128x128xf32>
    %dot_general3A = arith.constant dense<0.000000e+00> : vector<1000x128xf32>
    %dot_general3A_5 = tpu.matmul %get3A_1, %get3A_4, %dot_general3A {dimension_numbers = #tpu.dot_dimension_numbers<[1], [0], [0], [1], [0, 0, 1, 1], [], []>, transpose_lhs_hint = false} : vector<1000x128xf32>, vector<128x128xf32>, vector<1000x128xf32> -> vector<1000x128xf32>
    %get3A_6 = arith.constant 0 : index
    %get3A_7 = arith.constant 0 : index
    %get3A_8 = arith.constant 0 : index
    %get3A_9 = vector.load %arg3[%get3A_6, %get3A_7, %get3A_8] : memref<2x1000x128xf32, #tpu.memory_space<vmem>>, vector<1x1000x128xf32>
    %get3A_10 = vector.shape_cast %get3A_9 : vector<1x1000x128xf32> to vector<1000x128xf32>
    %add3A = arith.constant 1.000000e+00 : f32
    %add3A_11 = vector.broadcast %add3A : f32 to vector<1000x128xf32>
    %add3A_12 = arith.addf %add3A_11, %get3A_10 : vector<1000x128xf32>
    %get3A_13 = arith.constant 1 : index
    %get3A_14 = arith.constant 0 : index
    %get3A_15 = arith.constant 0 : index
    %get3A_16 = vector.load %arg3[%get3A_13, %get3A_14, %get3A_15] : memref<2x1000x128xf32, #tpu.memory_space<vmem>>, vector<1x1000x128xf32>
    %get3A_17 = vector.shape_cast %get3A_16 : vector<1x1000x128xf32> to vector<1000x128xf32>
    %add3A_18 = arith.addf %add3A_12, %get3A_17 : vector<1000x128xf32>
    %rsqrt3A = math.rsqrt %add3A_18 : vector<1000x128xf32>
    %mul3A = arith.mulf %dot_general3A_5, %rsqrt3A : vector<1000x128xf32>
    %swap3A = arith.constant 0 : index
    %swap3A_19 = arith.constant 0 : index
    %swap3A_20 = vector.load %arg4[%swap3A, %swap3A_19] : memref<1000x128xf32, #tpu.memory_space<vmem>>, vector<1000x128xf32>
    tpu.vector_store %arg4[%swap3A, %swap3A_19], %mul3A {strides = array<i32>} : memref<1000x128xf32, #tpu.memory_space<vmem>>, vector<1000x128xf32>,
    return
  }
  func.func @transform_0(%arg0: i32) -> (i32, i32) {
    %c0_i32 = arith.constant 0 : i32
    %c0_i32_0 = arith.constant 0 : i32
    return %arg0, %c0_i32 : i32, i32
  }
  func.func @transform_1(%arg0: i32) -> (i32, i32) {
    %c0_i32 = arith.constant 0 : i32
    %c0_i32_0 = arith.constant 0 : i32
    %c0_i32_1 = arith.constant 0 : i32
    return %c0_i32, %c0_i32_0 : i32, i32
  }
  func.func @transform_2(%arg0: i32) -> (i32, i32, i32) {
    %c0_i32 = arith.constant 0 : i32
    %c0_i32_0 = arith.constant 0 : i32
    %c0_i32_1 = arith.constant 0 : i32
    return %c0_i32, %arg0, %c0_i32_0 : i32, i32, i32
  }
  func.func @transform_3(%arg0: i32) -> (i32, i32) {
    %c0_i32 = arith.constant 0 : i32
    %c0_i32_0 = arith.constant 0 : i32
    return %arg0, %c0_i32 : i32, i32
  }
}

module attributes {stable_mosaic.version = 14 : i64} {
  func.func @_final_body(%arg0: i32, %arg1: i32, %arg2: memref<2x1000x128xf32, #tpu.memory_space<vmem>>, %arg3: memref<2x1000x128xf32, #tpu.memory_space<vmem>>, %arg4: memref<1x128xf32, #tpu.memory_space<vmem>>, %arg5: memref<1x128xf32, #tpu.memory_space<vmem>>, %arg6: memref<1x128xf32, #tpu.memory_space<vmem>>, %arg7: memref<1x1xf32, #tpu.memory_space<vmem>>, %arg8: memref<1000x128xf32, #tpu.memory_space<vmem>>, %arg9: memref<10000x128xf32, #tpu.memory_space<vmem>>, %arg10: memref<2xf32, #tpu.memory_space<smem>>) attributes {dimension_semantics = [#tpu.dimension_semantics<arbitrary>, #tpu.dimension_semantics<arbitrary>], iteration_bounds = array<i64: 2, 10>, scalar_prefetch = 0 : i64, scratch_operands = 2 : i64, tpu.core_type = #tpu.core_type<tc>, window_params = [{transform_indices = @transform_0, window_bounds = array<i64: 2, 1000, 128>}, {transform_indices = @transform_1, window_bounds = array<i64: 2, 1000, 128>}, {pipeline_mode = #tpu.pipeline_mode<synchronous>, transform_indices = @transform_2, window_bounds = array<i64: 1, 128>}, {pipeline_mode = #tpu.pipeline_mode<synchronous>, transform_indices = @transform_3, window_bounds = array<i64: 1, 128>}, {pipeline_mode = #tpu.pipeline_mode<synchronous>, transform_indices = @transform_4, window_bounds = array<i64: 1, 128>}, {pipeline_mode = #tpu.pipeline_mode<synchronous>, transform_indices = @transform_5, window_bounds = array<i64: 1, 1>}, {transform_indices = @transform_6, window_bounds = array<i64: 1000, 128>}]} {
    %eq3A = arith.constant 0 : i32
    %eq3A_0 = arith.cmpi eq, %arg0, %eq3A : i32
    %convert_element_type3A = arith.extui %eq3A_0 : i1 to i32
    %cond3A = arith.constant 0 : i32
    %cond3A_1 = arith.cmpi ne, %convert_element_type3A, %cond3A : i32
    scf.if %cond3A_1 {
      %eq3A_7 = arith.constant 0 : i32
      %eq3A_8 = arith.cmpi eq, %arg1, %eq3A_7 : i32
      %convert_element_type3A_9 = arith.extui %eq3A_8 : i1 to i32
      %cond3A_10 = arith.constant 0 : i32
      %cond3A_11 = arith.cmpi ne, %convert_element_type3A_9, %cond3A_10 : i32
      scf.if %cond3A_11 {
        %swap3A_64 = arith.constant 0.000000e+00 : f32
        %swap3A_65 = arith.constant 0 : index
        %swap3A_66 = memref.load %arg10[%swap3A_65] : memref<2xf32, #tpu.memory_space<smem>>
        memref.store %swap3A_64, %arg10[%swap3A_65] : memref<2xf32, #tpu.memory_space<smem>>
        %swap3A_67 = arith.constant 0.000000e+00 : f32
        %swap3A_68 = arith.constant 1 : index
        %swap3A_69 = memref.load %arg10[%swap3A_68] : memref<2xf32, #tpu.memory_space<smem>>
        memref.store %swap3A_67, %arg10[%swap3A_68] : memref<2xf32, #tpu.memory_space<smem>>
      } else {
      }
      %get3A = arith.constant 0 : index
      %get3A_12 = arith.constant 0 : index
      %get3A_13 = arith.constant 0 : index
      %get3A_14 = vector.load %arg3[%get3A, %get3A_12, %get3A_13] : memref<2x1000x128xf32, #tpu.memory_space<vmem>>, vector<1x1000x128xf32>
      %get3A_15 = vector.shape_cast %get3A_14 : vector<1x1000x128xf32> to vector<1000x128xf32>
      %add3A = arith.constant 1.000000e+00 : f32
      %add3A_16 = vector.broadcast %add3A : f32 to vector<1000x128xf32>
      %add3A_17 = arith.addf %add3A_16, %get3A_15 : vector<1000x128xf32>
      %get3A_18 = arith.constant 1 : index
      %get3A_19 = arith.constant 0 : index
      %get3A_20 = arith.constant 0 : index
      %get3A_21 = vector.load %arg3[%get3A_18, %get3A_19, %get3A_20] : memref<2x1000x128xf32, #tpu.memory_space<vmem>>, vector<1x1000x128xf32>
      %get3A_22 = vector.shape_cast %get3A_21 : vector<1x1000x128xf32> to vector<1000x128xf32>
      %add3A_23 = arith.addf %add3A_17, %get3A_22 : vector<1000x128xf32>
      %get3A_24 = arith.constant 0 : index
      %get3A_25 = arith.constant 0 : index
      %get3A_26 = arith.constant 0 : index
      %get3A_27 = vector.load %arg2[%get3A_24, %get3A_25, %get3A_26] : memref<2x1000x128xf32, #tpu.memory_space<vmem>>, vector<1x1000x128xf32>
      %get3A_28 = vector.shape_cast %get3A_27 : vector<1x1000x128xf32> to vector<1000x128xf32>
      %get3A_29 = arith.constant 1 : index
      %get3A_30 = arith.constant 0 : index
      %get3A_31 = arith.constant 0 : index
      %get3A_32 = vector.load %arg2[%get3A_29, %get3A_30, %get3A_31] : memref<2x1000x128xf32, #tpu.memory_space<vmem>>, vector<1x1000x128xf32>
      %get3A_33 = vector.shape_cast %get3A_32 : vector<1x1000x128xf32> to vector<1000x128xf32>
      %add3A_34 = arith.addf %get3A_28, %get3A_33 : vector<1000x128xf32>
      %rsqrt3A = math.rsqrt %add3A_23 : vector<1000x128xf32>
      %mul3A = arith.mulf %add3A_34, %rsqrt3A : vector<1000x128xf32>
      %get3A_35 = arith.constant 0 : index
      %get3A_36 = arith.constant 0 : index
      %get3A_37 = vector.load %arg4[%get3A_35, %get3A_36] : memref<1x128xf32, #tpu.memory_space<vmem>>, vector<1x128xf32>
      %add3A_38 = vector.broadcast %get3A_37 : vector<1x128xf32> to vector<1000x128xf32>
      %add3A_39 = arith.addf %mul3A, %add3A_38 : vector<1000x128xf32>
      %mul3A_40 = arith.constant 1000 : i32
      %mul3A_41 = arith.muli %arg1, %mul3A_40 : i32
      %swap3A = arith.index_cast %mul3A_41 : i32 to index
      %swap3A_42 = arith.constant 0 : index
      %swap3A_43 = vector.load %arg9[%swap3A, %swap3A_42] : memref<10000x128xf32, #tpu.memory_space<vmem>>, vector<1000x128xf32>
      tpu.vector_store %arg9[%swap3A, %swap3A_42], %add3A_39 {strides = array<i32>} : memref<10000x128xf32, #tpu.memory_space<vmem>>, vector<1000x128xf32>,
      %get3A_44 = arith.constant 0 : index
      %get3A_45 = memref.load %arg10[%get3A_44] : memref<2xf32, #tpu.memory_space<smem>>
      %reduce_sum3A = vector.shape_cast %add3A_39 : vector<1000x128xf32> to vector<1x1000x128xf32>
      %reduce_sum3A_46 = arith.constant dense<0.000000e+00> : vector<1xf32>
      %reduce_sum3A_47 = vector.multi_reduction <add>, %reduce_sum3A, %reduce_sum3A_46 [1, 2] : vector<1x1000x128xf32> to vector<1xf32>
      %reduce_sum3A_48 = vector.shape_cast %reduce_sum3A_47 : vector<1xf32> to vector<1x1x1xf32>
      %reduce_sum3A_49 = vector.extract %reduce_sum3A_48[0, 0, 0] : f32 from vector<1x1x1xf32>
      %add3A_50 = arith.addf %get3A_45, %reduce_sum3A_49 : f32
      %swap3A_51 = arith.constant 0 : index
      %swap3A_52 = memref.load %arg10[%swap3A_51] : memref<2xf32, #tpu.memory_space<smem>>
      memref.store %add3A_50, %arg10[%swap3A_51] : memref<2xf32, #tpu.memory_space<smem>>
      %get3A_53 = arith.constant 1 : index
      %get3A_54 = memref.load %arg10[%get3A_53] : memref<2xf32, #tpu.memory_space<smem>>
      %mul3A_55 = arith.mulf %add3A_39, %add3A_39 : vector<1000x128xf32>
      %reduce_sum3A_56 = vector.shape_cast %mul3A_55 : vector<1000x128xf32> to vector<1x1000x128xf32>
      %reduce_sum3A_57 = arith.constant dense<0.000000e+00> : vector<1xf32>
      %reduce_sum3A_58 = vector.multi_reduction <add>, %reduce_sum3A_56, %reduce_sum3A_57 [1, 2] : vector<1x1000x128xf32> to vector<1xf32>
      %reduce_sum3A_59 = vector.shape_cast %reduce_sum3A_58 : vector<1xf32> to vector<1x1x1xf32>
      %reduce_sum3A_60 = vector.extract %reduce_sum3A_59[0, 0, 0] : f32 from vector<1x1x1xf32>
      %add3A_61 = arith.addf %get3A_54, %reduce_sum3A_60 : f32
      %swap3A_62 = arith.constant 1 : index
      %swap3A_63 = memref.load %arg10[%swap3A_62] : memref<2xf32, #tpu.memory_space<smem>>
      memref.store %add3A_61, %arg10[%swap3A_62] : memref<2xf32, #tpu.memory_space<smem>>
    } else {
    }
    %eq3A_2 = arith.constant 1 : i32
    %eq3A_3 = arith.cmpi eq, %arg0, %eq3A_2 : i32
    %convert_element_type3A_4 = arith.extui %eq3A_3 : i1 to i32
    %cond3A_5 = arith.constant 0 : i32
    %cond3A_6 = arith.cmpi ne, %convert_element_type3A_4, %cond3A_5 : i32
    scf.if %cond3A_6 {
      %get3A = arith.constant 0 : index
      %get3A_7 = memref.load %arg10[%get3A] : memref<2xf32, #tpu.memory_space<smem>>
      %mul3A = arith.constant 7.812500e-07 : f32
      %mul3A_8 = arith.mulf %get3A_7, %mul3A : f32
      %get3A_9 = arith.constant 1 : index
      %get3A_10 = memref.load %arg10[%get3A_9] : memref<2xf32, #tpu.memory_space<smem>>
      %mul3A_11 = arith.constant 7.812500e-07 : f32
      %mul3A_12 = arith.mulf %get3A_10, %mul3A_11 : f32
      %mul3A_13 = arith.mulf %mul3A_8, %mul3A_8 : f32
      %sub3A = arith.subf %mul3A_12, %mul3A_13 : f32
      %sqrt3A = math.sqrt %sub3A : f32
      %mul3A_14 = arith.constant 1000 : i32
      %mul3A_15 = arith.muli %arg1, %mul3A_14 : i32
      %get3A_16 = arith.index_cast %mul3A_15 : i32 to index
      %get3A_17 = arith.constant 0 : index
      %get3A_18 = vector.load %arg9[%get3A_16, %get3A_17] : memref<10000x128xf32, #tpu.memory_space<vmem>>, vector<1000x128xf32>
      %sub3A_19 = vector.broadcast %mul3A_8 : f32 to vector<1000x128xf32>
      %sub3A_20 = arith.subf %get3A_18, %sub3A_19 : vector<1000x128xf32>
      %add3A = arith.constant 9.99999974E-6 : f32
      %add3A_21 = arith.addf %sqrt3A, %add3A : f32
      %div3A = vector.broadcast %add3A_21 : f32 to vector<1000x128xf32>
      %div3A_22 = arith.divf %sub3A_20, %div3A : vector<1000x128xf32>
      %get3A_23 = arith.constant 0 : index
      %get3A_24 = arith.constant 0 : index
      %get3A_25 = vector.load %arg5[%get3A_23, %get3A_24] : memref<1x128xf32, #tpu.memory_space<vmem>>, vector<1x128xf32>
      %mul3A_26 = vector.broadcast %get3A_25 : vector<1x128xf32> to vector<1000x128xf32>
      %mul3A_27 = arith.mulf %div3A_22, %mul3A_26 : vector<1000x128xf32>
      %get3A_28 = arith.constant 0 : index
      %get3A_29 = arith.constant 0 : index
      %get3A_30 = vector.load %arg6[%get3A_28, %get3A_29] : memref<1x128xf32, #tpu.memory_space<vmem>>, vector<1x128xf32>
      %add3A_31 = vector.broadcast %get3A_30 : vector<1x128xf32> to vector<1000x128xf32>
      %add3A_32 = arith.addf %mul3A_27, %add3A_31 : vector<1000x128xf32>
      %get3A_33 = arith.constant 0 : index
      %get3A_34 = arith.constant 0 : index
      %get3A_35 = vector.load %arg7[%get3A_33, %get3A_34] : memref<1x1xf32, #tpu.memory_space<vmem>>, vector<1x1xf32>
      %get3A_36 = vector.extract %get3A_35[0, 0] : f32 from vector<1x1xf32>
      %ge3A = arith.constant 0.000000e+00 : f32
      %ge3A_37 = vector.broadcast %ge3A : f32 to vector<1000x128xf32>
      %ge3A_38 = arith.cmpf oge, %add3A_32, %ge3A_37 : vector<1000x128xf32>
      %mul3A_39 = vector.broadcast %get3A_36 : f32 to vector<1000x128xf32>
      %mul3A_40 = arith.mulf %mul3A_39, %add3A_32 : vector<1000x128xf32>
      %select_n3A = arith.select %ge3A_38, %add3A_32, %mul3A_40 : vector<1000x128xi1>, vector<1000x128xf32>
      %swap3A = arith.constant 0 : index
      %swap3A_41 = arith.constant 0 : index
      %swap3A_42 = vector.load %arg8[%swap3A, %swap3A_41] : memref<1000x128xf32, #tpu.memory_space<vmem>>, vector<1000x128xf32>
      tpu.vector_store %arg8[%swap3A, %swap3A_41], %select_n3A {strides = array<i32>} : memref<1000x128xf32, #tpu.memory_space<vmem>>, vector<1000x128xf32>,
    } else {
    }
    return
  }
  func.func @transform_0(%arg0: i32, %arg1: i32) -> (i32, i32, i32) {
    %eq3A = arith.constant 0 : i32
    %eq3A_0 = arith.cmpi eq, %arg0, %eq3A : i32
    %jit3A = arith.constant 0 : i32
    %select_n3A = arith.select %eq3A_0, %arg1, %jit3A : i32
    %c0_i32 = arith.constant 0 : i32
    %c0_i32_1 = arith.constant 0 : i32
    %c0_i32_2 = arith.constant 0 : i32
    return %c0_i32, %select_n3A, %c0_i32_1 : i32, i32, i32
  }
  func.func @transform_1(%arg0: i32, %arg1: i32) -> (i32, i32, i32) {
    %eq3A = arith.constant 0 : i32
    %eq3A_0 = arith.cmpi eq, %arg0, %eq3A : i32
    %jit3A = arith.constant 0 : i32
    %select_n3A = arith.select %eq3A_0, %arg1, %jit3A : i32
    %c0_i32 = arith.constant 0 : i32
    %c0_i32_1 = arith.constant 0 : i32
    %c0_i32_2 = arith.constant 0 : i32
    return %c0_i32, %select_n3A, %c0_i32_1 : i32, i32, i32
  }
  func.func @transform_2(%arg0: i32, %arg1: i32) -> (i32, i32) {
    %c0_i32 = arith.constant 0 : i32
    %c0_i32_0 = arith.constant 0 : i32
    %c0_i32_1 = arith.constant 0 : i32
    return %c0_i32, %c0_i32_0 : i32, i32
  }
  func.func @transform_3(%arg0: i32, %arg1: i32) -> (i32, i32) {
    %c0_i32 = arith.constant 0 : i32
    %c0_i32_0 = arith.constant 0 : i32
    %c0_i32_1 = arith.constant 0 : i32
    return %c0_i32, %c0_i32_0 : i32, i32
  }
  func.func @transform_4(%arg0: i32, %arg1: i32) -> (i32, i32) {
    %c0_i32 = arith.constant 0 : i32
    %c0_i32_0 = arith.constant 0 : i32
    %c0_i32_1 = arith.constant 0 : i32
    return %c0_i32, %c0_i32_0 : i32, i32
  }
  func.func @transform_5(%arg0: i32, %arg1: i32) -> (i32, i32) {
    %c0_i32 = arith.constant 0 : i32
    %c0_i32_0 = arith.constant 0 : i32
    %c0_i32_1 = arith.constant 0 : i32
    return %c0_i32, %c0_i32_0 : i32, i32
  }
  func.func @transform_6(%arg0: i32, %arg1: i32) -> (i32, i32) {
    %eq3A = arith.constant 0 : i32
    %eq3A_0 = arith.cmpi eq, %arg0, %eq3A : i32
    %jit3A = arith.constant 0 : i32
    %select_n3A = arith.select %eq3A_0, %jit3A, %arg1 : i32
    %c0_i32 = arith.constant 0 : i32
    %c0_i32_1 = arith.constant 0 : i32
    return %select_n3A, %c0_i32 : i32, i32
  }
}

</mosaic_0001>

<sc_bundles>
// kernel: kernel.6.cloned.1.call-start
scs
__scs_entry_jumppad:
0x0: {  	(pc) =	sbr.rel $0x88, $3  }
0x1: {  	(tag) =	ssettag $0x0;
	lr =	simm.s32 $0x1  }
0x2: {  	[smem:$0x3F9A] =	sst lr;
	_ =	strace $0xD0000000  }
0x3: {  	_ = 	snop  }
0x4: {  	_ = 	snop  }
0x5: {  	_ = 	snop  }
0x6: {  	_ = 	snop  }
0x7: {  	_ = 	snop  }
__scs_overlays_trampoline_lowered:
0x8: {  	[smem:$0x3FA9] =	sst s0  }
0x9: {  	[smem:$0x3FAA] =	sst s1  }
0xa: {  	[smem:$0x3FAB] =	sst s2  }
0xb: {  	[smem:$0x3FAC] =	sst s3  }
0xc: {  	[smem:$0x3FAD] =	sst s4  }
0xd: {  	[smem:$0x3FAE] =	sst s5  }
0xe: {  	[smem:$0x3FAF] =	sst s6  }
0xf: {  	[smem:$0x3FB0] =	sst s7  }
0x10: {  	[smem:$0x3FB1] =	sst s8  }
0x11: {  	[smem:$0x3FB2] =	sst s9;
	s0 =	simm.s32 @!p0 $0x0  }
0x12: {  	s1 =	sld [smem:$0x3F98];
	s0 =	simm.s32 @p0 $0x1  }
0x13: {  	[smem:$0x3FB3] =	sst s0;
	s0 =	simm.s32 @!p1 $0x0  }
0x14: {  	s2 =	sld [smem:$0x3F97];
	s0 =	simm.s32 @p1 $0x1  }
0x15: {  	[smem:$0x3FB4] =	sst s0;
	s0 =	simm.s32 @!p2 $0x0  }
0x16: {  	s3 =	sld [smem:$0x3FDB];
	s0 =	simm.s32 @p2 $0x1  }
0x17: {  	s4 =	simm.s32 $0x1BF5;
	[smem:$0x3FB6] =	sst s0  }
0x18: {  	s0 =	sld [smem:$0x3F99];
	_ =	swait.ge [sflag:s4], $0x0  }
0x19: {  	s7 =	sld [smem:$0x3F9A]  }
0x1a: {  	s8 =	sadd.s32 $0xFFFFE003, lr  }
0x1b: {  	s9 =	sadd.s32 $0xFFFFFEF7, lr;
	s5 =	simm.s32 $0xFFFFFFFF;
	p2 =	slt.u32 s8, $0xFFFFF086  }
0x1c: {  	p1 =	slt.u32 s9, $0xF7A;
	s5 =	simm.s32 @!p2 $0x0  }
0x1d: {  	s5 =	simm.s32 @p1 $0x1;
	p0 =	seq.s32 s7, s2  }
0x1e: {  	s7 =	smul.u32 @!p0 $0xF7A, s2;
	p2 =	seq.s32 @!p0 s5, $0x0  }
0x1f: {  	s9 =	smul.u32 $0xF7A, s1;
	s8 =	simm.s32 @!p0 $0x1BF5;
	p2 =	por !p2, p0  }
0x20: {  	[sflag:s8] =	ssyncset.s32 @!p0 $0xFFFFF086;
	s6 =	sadd.s32 @!p0 s3, s7;
	s7 =	simm.s32 @!p0 $0x108  }
0x21: {  	s3 =	sadd.s32 s3, s9;
	s6 =	sadd.s32 @!p0 $0x88, s6;
	s7 =	simm.s32 @p2 $0x1082  }
0x22: {  	[simem:s7], [sflag:s8] =	dma.local @!p0 [hbm:s6], $0xF7A  }
0x23: {  	s9 =	sor.u32 $0xD0000000, s2;
	s6 =	simm.s32 $0x108;
	_ =	swait.ge @!p0 [sflag:s8], $0x0  }
0x24: {  	s3 =	sadd.s32 $0x88, s3;
	s6 =	simm.s32 @!p1 $0x1082;
	[sflag:s4] =	ssyncset.s32 $0xFFFFF086  }
0x25: {  	[simem:s6], [sflag:s4] =	dma.local [hbm:s3], $0xF7A  }
0x26: {  	[smem:$0x3F9A] =	sst s1;
	(tag) =	ssettag s2;
	_ =	strace s9  }
0x27: {  	s1 =	sld [smem:$0x3FAA]  }
0x28: {  	s2 =	sld [smem:$0x3FAB]  }
0x29: {  	s4 =	sld [smem:$0x3FAD]  }
0x2a: {  	p0 =	seq.s32 s5, $0x0;
	s5 =	sld [smem:$0x3FAE]  }
0x2b: {  	s6 =	sld [smem:$0x3FAF]  }
0x2c: {  	s7 =	sld [smem:$0x3FB0]  }
0x2d: {  	s3 =	simm.s32 $0x108;
	s8 =	sld [smem:$0x3FB1]  }
0x2e: {  	s3 =	simm.s32 @!p0 $0x1082;
	s9 =	sld [smem:$0x3FB2]  }
0x2f: {  	lr =	sadd.s32 s0, s3;
	s0 =	sld [smem:$0x3FA9]  }
0x30: {  	s3 =	sld [smem:$0x3FAC]  }
0x31: {  	[smem:$0x3FB5] =	sst s10  }
0x32: {  	s10 =	sld [smem:$0x3FB3];
	_ =	sdelay $0x3  }
0x33: {  	p0 =	seq.s32 s10, $0x1;
	s10 =	sld [smem:$0x3FB5];
	_ =	sdelay $0x3  }
0x34: {  	[smem:$0x3FB5] =	sst s10  }
0x35: {  	s10 =	sld [smem:$0x3FB4];
	_ =	sdelay $0x3  }
0x36: {  	p1 =	seq.s32 s10, $0x1;
	s10 =	sld [smem:$0x3FB5];
	_ =	sdelay $0x3  }
0x37: {  	[smem:$0x3FB5] =	sst s10  }
0x38: {  	s10 =	sld [smem:$0x3FB6]  }
0x39: {  	_ = 	snop;
	(pc) =	sbr.ind lr, $3  }
0x3a: {  	_ = 	snop  }
0x3b: {  	_ = 	snop  }
0x3c: {  	p2 =	seq.s32 s10, $0x1;
	s10 =	sld [smem:$0x3FB5]  }
0x3d: {  	_ =	shalt  }
0x3e: {  	_ =	shalt  }
0x3f: {  	_ =	shalt  }
0x40: {  	_ =	shalt  }
0x41: {  	_ =	shalt  }
0x42: {  	_ =	shalt  }
0x43: {  	_ =	shalt  }
0x44: {  	_ =	shalt  }
0x45: {  	_ =	shalt  }
0x46: {  	_ =	shalt  }
0x47: {  	_ =	shalt  }
0x48: {  	_ =	shalt  }
0x49: {  	_ =	shalt  }
0x4a: {  	_ =	shalt  }
0x4b: {  	_ =	shalt  }
0x4c: {  	_ =	shalt  }
0x4d: {  	_ =	shalt  }
0x4e: {  	_ =	shalt  }
0x4f: {  	_ =	shalt  }
0x50: {  	_ =	shalt  }
0x51: {  	_ =	shalt  }
0x52: {  	_ =	shalt  }
0x53: {  	_ =	shalt  }
0x54: {  	_ =	shalt  }
0x55: {  	_ =	shalt  }
0x56: {  	_ =	shalt  }
0x57: {  	_ =	shalt  }
0x58: {  	_ =	shalt  }
0x59: {  	_ =	shalt  }
0x5a: {  	_ =	shalt  }
0x5b: {  	_ =	shalt  }
0x5c: {  	_ =	shalt  }
0x5d: {  	_ =	shalt  }
0x5e: {  	_ =	shalt  }
0x5f: {  	_ =	shalt  }
0x60: {  	_ =	shalt  }
0x61: {  	_ =	shalt  }
0x62: {  	_ =	shalt  }
0x63: {  	_ =	shalt  }
0x64: {  	_ =	shalt  }
0x65: {  	_ =	shalt  }
0x66: {  	_ =	shalt  }
0x67: {  	_ =	shalt  }
0x68: {  	_ =	shalt  }
0x69: {  	_ =	shalt  }
0x6a: {  	_ =	shalt  }
0x6b: {  	_ =	shalt  }
0x6c: {  	_ =	shalt  }
0x6d: {  	_ =	shalt  }
0x6e: {  	_ =	shalt  }
0x6f: {  	_ =	shalt  }
0x70: {  	_ =	shalt  }
0x71: {  	_ =	shalt  }
0x72: {  	_ =	shalt  }
0x73: {  	_ =	shalt  }
0x74: {  	_ =	shalt  }
0x75: {  	_ =	shalt  }
0x76: {  	_ =	shalt  }
0x77: {  	_ =	shalt  }
0x78: {  	_ =	shalt  }
0x79: {  	_ =	shalt  }
0x7a: {  	_ =	shalt  }
0x7b: {  	_ =	shalt  }
0x7c: {  	_ =	shalt  }
0x7d: {  	_ =	shalt  }
0x7e: {  	_ =	shalt  }
0x7f: {  	_ =	shalt  }
0x80: {  	_ =	shalt  }
0x81: {  	_ =	shalt  }
0x82: {  	_ =	shalt  }
0x83: {  	_ =	shalt  }
0x84: {  	_ =	shalt  }
0x85: {  	_ =	shalt  }
0x86: {  	_ =	shalt  }
0x87: {  	_ =	shalt  }
.Lfunc_end0:
.L_simem_size_0:
called_computation_lowered:
.L_overlay_start_0:
0x88: {  	s2 =	sld [smem:$0x3FD9]  }
0x89: {  	s3 =	sld [smem:$0x3FFE];
	_ =	sdelay $0x1  }
0x8a: {  	s1 =	srdreg.scid  }
0x8b: {  	s0 =	sand.u32 $0x1, s1  }
0x8c: {  	s17 =	sshll.u32 s0, $0xA;
	s2 =	sadd.s32 s3, s2  }
0x8d: {  	s2 =	sadd.s32 s2, s17  }
0x8e: {  	[smem:$0x3FC1] =	sst s2  }
0x8f: {  	_ = 	snop  }
0x90: {  	s2 =	sld [smem:$0x3FD0];
	(tm) =	ssettm $0x1  }
0x91: {  	s18 =	sld [smem:$0x3FFB];
	_ =	sdelay $0x3  }
0x92: {  	_ =	strace s18  }
0x93: {  	s3 =	sld [smem:$0x3FFC];
	_ =	sdelay $0x3  }
0x94: {  	_ =	strace s3  }
0x95: {  	s3 =	sld [smem:$0x3FFD];
	_ =	sdelay $0x3  }
0x96: {  	_ =	strace s3  }
0x97: {  	_ =	strace $0x8FFFFFFF  }
0x98: {  	s19 =	sld [smem:$0x3FDB];
	_ =	sdelay $0x1  }
0x99: {  	s4 =	simm.s32 $_scs_section_size  }
0x9a: {  	s5 =	simm.s32 $_size__tile_overlayer_lowered;
	s6 =	simm.s32 $_tile_overlayer_lowered  }
0x9b: {  	s22 =	simm.s32 $0x1BFF;
	s21 =	sshll.u32 s6, $0x1;
	s3 =	sadd.s32 s4, s19  }
0x9c: {  	s7 =	simm.s32 $0x0;
	s20 =	sshll.u32 s5, $0x1;
	s5 =	sadd.s32 s21, s3  }
0x9d: {  	[timem:s7], [sflag:s22] =	dma.local [hbm:s5], s20  }
0x9e: {  	_ =	swait.ge [sflag:s22], s20  }
0x9f: {  	s4 =	ssub.s32 $0x0, s20;
	[sflag:s22] =	ssyncset.done $0x0  }
0xa0: {  	[sflag:s22] =	ssyncadd.s32 s4;
	_ =	sdelay $0x1  }
0xa1: {  	s23 =	simm.s32 $0x1B8B  }
0xa2: {  	_ =	swait.ge [sflag:s23], $0x1  }
0xa3: {  	[sflag:s23] =	ssyncset.done $0x0  }
0xa4: {  	s25 =	simm.s32 $0x1B8E;
	s24 =	sld [smem:$0x3FFE];
	[sflag:s23] =	ssyncadd.s32 $0xFFFFFFFF  }
0xa5: {  	s26 =	simm.s32 $execute0_lowered;
	[smem:$0x3FD2] =	sst s25  }
0xa6: {  	s5 =	sshll.u32 s26, $0x1;
	_ =	strace $0x80000046;
	[dreg:$0x1] =	wrdreg $0xFFFFFFFF  }
0xa7: {  	s28 =	simm.s32 $_size_execute0_lowered;
	s3 =	sadd.s32 s3, s5;
	[dreg:$0x0] =	wrdreg $0x0  }
0xa8: {  	s5 =	sshll.u32 s28, $0x1;
	[dreg:$0x2] =	wrdreg s3  }
0xa9: {  	[dreg:$0x3] =	wrdreg s5  }
0xaa: {  	[dreg:$0x4] =	wrdreg $0xC0  }
0xab: {  	_ =	task [dreg:s7], $0x5FFFF  }
0xac: {  	[dreg:$0x1] =	wrdreg $0xFFFFFFFF  }
0xad: {  	[dreg:$0x0] =	wrdreg $0x60  }
0xae: {  	[dreg:$0x2] =	wrdreg s24  }
0xaf: {  	[dreg:$0x3] =	wrdreg s2  }
0xb0: {  	[dreg:$0x4] =	wrdreg $0x70000  }
0xb1: {  	[dreg:$0x5] =	wrdreg $0x9  }
0xb2: {  	_ =	task.clear_ibuf [dreg:s7], $0x6FFFF;
	_ =	strace $0x90000046  }
0xb3: {  	s29 =	simm.s32 $0x9;
	_ =	strace $0x80000048  }
0xb4: {  	_ =	swait.ge [sflag:s29], $0x1  }
0xb5: {  	[sflag:s29] =	ssyncadd.s32 $0xFFFFFFFF  }
0xb6: {  	_ =	strace $0x90000048  }
0xb7: {  	_ =	sfence  }
0xb8: {  	s30 =	sld [smem:$0x0];
	_ =	sdelay $0x2  }
0xb9: {  	s31 =	sshll.u32 s1, $0xD;
	s1 =	sshrl.u32 s1, $0x2  }
0xba: {  	s3 =	sand.u32 $0x4000, s31;
	s1 =	sadd.s32 s1, s30  }
0xbb: {  	s0 =	sor.u32 s3, s0;
	s1 =	sshll.u32 s1, $0x11  }
0xbc: {  	s0 =	sor.u32 s1, s0  }
0xbd: {  	s0 =	sadd.s32 $0x8F2B, s0  }
0xbe: {  	[sflag:s0] =	ssyncadd.remote.s32 $0x1  }
0xbf: {  	_ =	sfence.sel $0xFFFF  }
0xc0: {  	[dreg:$0x0] =	wrdreg $0xFFFFFFFF;
	(pc) =	sbr.abs _section_cstart, $3  }
0xc1: {  	[dreg:$0x1] =	wrdreg $0xFFFFFFFF  }
0xc2: {  	_ =	task.clear_ibuf [dreg:s7], $0x2FFFF;
	_ =	strace $0x9FFFFFFF  }
0xc3: {  	(tm) =	ssettm $0x7FFFFFFF  }
tec
execute0_lowered:
.L_overlay_start_1:
0x0: {  	(tag) =	ssettag $0x1  }
0x1: {  	s7 =	rddreg [dreg:$0x0]  }
0x2: {  	s0 =	srdreg.scid;
	s2 =	rddreg [dreg:$0x1]  }
0x3: {  	s3 =	rddreg [dreg:$0x2];
	s4 =	simm.s32 $0x0;
	s6 =	sand.u32 $0x1, s0  }
0x4: {  	s13 =	simm.s32 $0x40;
	s0 =	stileid.u32;
	s8 =	smul.u32 $0x140000, s6  }
0x5: {  	s14 =	simm.s32 $0x0;
	[smem:$0x7FF] =	sst s4;
	s9 =	smul.u32 $0x14000, s0  }
0x6: {  	s1 =	sshll.u32 s6, $0x4;
	s29 =	smul.u32 $0x50000, s0;
	s6 =	ssub.s32 $0x2, s6  }
0x7: {  	s31 =	sshll.u32 s0, $0x6;
	s1 =	sor.u32 s0, s1;
	s30 =	sshrl.u32 s6, $0x1  }
0x8: {  	s5 =	smul.u32 $0xA00, s1;
	s1 =	rddreg [dreg:$0x3];
	_ =	strace $0x80000047  }
0x9: {  	s8 =	sadd.s32 s9, s8;
	s9 =	sshrl.u32 s29, $0x2;
	s11 =	ssub.s32 s6, s30  }
0xa: {  	s6 =	sor.u32 $0x1C01, s31;
	s8 =	sshrl.u32 s8, $0x3;
	s12 =	sadd.s32 s9, s3  }
0xb: {  	s9 =	smax.u32 s11, $0x1;
	s11 =	simm.s32 $0x1;
	s10 =	sadd.s32 s5, s7  }
0xc: {  	s5 =	sadd.s32 $0x15800, s7;
	s8 =	sadd.s32 s8, s7;
	s7 =	sadd.s32 $0x1800, s10  }
0xd: {  	s8 =	sadd.s32 $0x18000, s8;
	s10 =	sshrl.u32 s12, $0x3;
	s12 =	simm.s32 $0x5000  }
.LBB2_1:
0xe: {  	[spmem:s10], [sflag:s6] =	dma.local [hbm:s5], $0x2800  }
0xf: {  	_ =	swait.ge [sflag:s11], $0x2800  }
0x10: {  	[sflag:s11] =	ssyncset.done $0x0  }
0x11: {  	[sflag:s11] =	ssyncadd.s32 $0xFFFFD800  }
0x12: {  	[tilespmem:s4], [sflag:$0x1] =	stream.linear.gather [hbm4b:s7+s4], $0x5000, $0x38;
	[tilespmem:$0x1B000] =	vst v63  }
0x13: {  	_ =	swait.ge [sflag:s11], $0x5000  }
0x14: {  	[sflag:s11] =	ssyncset.done $0x0  }
0x15: {  	[sflag:s11] =	ssyncadd.s32 $0xFFFFB000  }
0x16: {  	[tilespmem:s12], [sflag:$0x1] =	stream.linear.gather [hbm4b:s2+s4], $0x2000, $0x38;
	[tilespmem:$0x1B000] =	vst v63  }
0x17: {  	_ =	swait.ge [sflag:s11], $0x2000  }
0x18: {  	[sflag:s11] =	ssyncset.done $0x0  }
0x19: {  	[sflag:s11] =	ssyncadd.s32 $0xFFFFE000  }
0x1a: {  	s15 =	simm.s32 $0x0;
	[bflag:$0x0] =	sbarrier.arrive $0xFFFF  }
0x1b: {  	[spmem:s3] =	stream.indirect.scatter.add.f32 [tilespmem:s12], [sflag:$0x1], $0x80, s15, s13, $0xb8;
	[tilespmem:$0x1B000] =	vst v63  }
0x1c: {  	_ =	swait.ge [sflag:s11], $0x2000  }
0x1d: {  	s15 =	simm.s32 $0x200;
	[sflag:s11] =	ssyncset.done $0x0  }
.LBB2_2:
0x1e: {  	s16 =	sshra.s32 s15, $0x2;
	[sflag:s11] =	ssyncadd.s32 $0xFFFFE000;
	p0 =	sne.s32 s15, $0x13E00  }
0x1f: {  	[spmem:s3] =	stream.indirect.scatter.add.f32 [tilespmem:s12], [sflag:$0x1], $0x80, s16, s13, $0xb8;
	[tilespmem:$0x1B000] =	vst v63  }
.Ltmp0:
0x20: {  	_ = 	snop;
	(pc) =	sbr.rel @p0 .LBB2_2-.Ltmp0, $4  }
0x21: {  	_ = 	snop  }
0x22: {  	s15 =	sadd.s32 $0x200, s15  }
0x23: {  	_ =	swait.ge [sflag:s11], $0x2000  }
0x24: {  	[sflag:s11] =	ssyncset.done $0x0  }
0x25: {  	s14 =	sadd.s32 $0x1, s14  }
0x26: {  	[sflag:s11] =	ssyncadd.s32 $0xFFFFE000;
	p0 =	sne.s32 s14, s9  }
.Ltmp1:
0x27: {  	[bflag:$0x0] =	sbarrier.arrive $0xFFFF;
	(pc) =	sbr.rel @p0 .LBB2_1-.Ltmp1, $4  }
0x28: {  	[hbm:s8], [sflag:s6] =	dma.local [spmem:s10], $0x2800  }
0x29: {  	_ =	swait.ge [sflag:s11], $0x2800  }
0x2a: {  	[sflag:s11] =	ssyncset.done $0x0  }
0x2b: {  	[sflag:s11] =	ssyncadd.s32 $0xFFFFD800  }
0x2c: {  	_ =	sfence.sel $0x180000  }
0x2d: {  	[bflag:$0x0] =	sbarrier.arrive $0xFFFF  }
0x2e: {  	p0 =	sne.s32 s0, $0x0;
	_ =	strace $0x90000047  }
0x2f: {  	s0 =	sadd.s32 @!p0 $0x100000, s1;
	[bflag:$0x2] =	sbarrier.arrive $0xFFFF  }
0x30: {  	[sflag:s0] =	ssyncadd.tile.s32 @!p0 $0x1;
	_ =	shalt  }
.Lfunc_end2:
_tile_overlayer_lowered:
.L_overlay_start_2:
0x31: {  	(tag) =	ssettag $0x2  }
0x32: {  	s0 =	rddreg [dreg:$0x0];
	s2 =	stileid.u32  }
0x33: {  	s1 =	rddreg [dreg:$0x1];
	p0 =	sne.s32 s2, $0x0  }
0x34: {  	s3 =	rddreg [dreg:$0x2];
	[bflag:$0x3] =	sbarrier.arrive $0xFFFF;
	s2 =	simm.s32 @!p0 $0x1C01  }
0x35: {  	[timem:s3], [sflag:s2] =	dma.local @!p0 [hbm:s0], s1  }
0x36: {  	s0 =	simm.s32 @!p0 $0x1  }
0x37: {  	_ =	swait.ge @!p0 [sflag:s0], s1  }
0x38: {  	s1 =	ssub.s32 @!p0 $0x0, s1;
	[sflag:s0] =	ssyncset.done @!p0 $0x0  }
0x39: {  	[sflag:s0] =	ssyncadd.s32 @!p0 s1  }
0x3a: {  	[bflag:$0x3] =	sbarrier.arrive $0xFFFF  }
0x3b: {  	_ =	shalt  }

// kernel: kernel.9.cloned.1.call-start
scs
__scs_entry_jumppad:
0x0: {  	(pc) =	sbr.rel $0x88, $3  }
0x1: {  	(tag) =	ssettag $0x0;
	lr =	simm.s32 $0x1  }
0x2: {  	[smem:$0x3F9A] =	sst lr;
	_ =	strace $0xD0000000  }
0x3: {  	_ = 	snop  }
0x4: {  	_ = 	snop  }
0x5: {  	_ = 	snop  }
0x6: {  	_ = 	snop  }
0x7: {  	_ = 	snop  }
__scs_overlays_trampoline_lowered:
0x8: {  	[smem:$0x3FA9] =	sst s0  }
0x9: {  	[smem:$0x3FAA] =	sst s1  }
0xa: {  	[smem:$0x3FAB] =	sst s2  }
0xb: {  	[smem:$0x3FAC] =	sst s3  }
0xc: {  	[smem:$0x3FAD] =	sst s4  }
0xd: {  	[smem:$0x3FAE] =	sst s5  }
0xe: {  	[smem:$0x3FAF] =	sst s6  }
0xf: {  	[smem:$0x3FB0] =	sst s7  }
0x10: {  	[smem:$0x3FB1] =	sst s8  }
0x11: {  	[smem:$0x3FB2] =	sst s9;
	s0 =	simm.s32 @!p0 $0x0  }
0x12: {  	s1 =	sld [smem:$0x3F98];
	s0 =	simm.s32 @p0 $0x1  }
0x13: {  	[smem:$0x3FB3] =	sst s0;
	s0 =	simm.s32 @!p1 $0x0  }
0x14: {  	s2 =	sld [smem:$0x3F97];
	s0 =	simm.s32 @p1 $0x1  }
0x15: {  	[smem:$0x3FB4] =	sst s0;
	s0 =	simm.s32 @!p2 $0x0  }
0x16: {  	s3 =	sld [smem:$0x3FDB];
	s0 =	simm.s32 @p2 $0x1  }
0x17: {  	s4 =	simm.s32 $0x1BF5;
	[smem:$0x3FB6] =	sst s0  }
0x18: {  	s0 =	sld [smem:$0x3F99];
	_ =	swait.ge [sflag:s4], $0x0  }
0x19: {  	s7 =	sld [smem:$0x3F9A]  }
0x1a: {  	s8 =	sadd.s32 $0xFFFFE003, lr  }
0x1b: {  	s9 =	sadd.s32 $0xFFFFFEF7, lr;
	s5 =	simm.s32 $0xFFFFFFFF;
	p2 =	slt.u32 s8, $0xFFFFF086  }
0x1c: {  	p1 =	slt.u32 s9, $0xF7A;
	s5 =	simm.s32 @!p2 $0x0  }
0x1d: {  	s5 =	simm.s32 @p1 $0x1;
	p0 =	seq.s32 s7, s2  }
0x1e: {  	s7 =	smul.u32 @!p0 $0xF7A, s2;
	p2 =	seq.s32 @!p0 s5, $0x0  }
0x1f: {  	s9 =	smul.u32 $0xF7A, s1;
	s8 =	simm.s32 @!p0 $0x1BF5;
	p2 =	por !p2, p0  }
0x20: {  	[sflag:s8] =	ssyncset.s32 @!p0 $0xFFFFF086;
	s6 =	sadd.s32 @!p0 s3, s7;
	s7 =	simm.s32 @!p0 $0x108  }
0x21: {  	s3 =	sadd.s32 s3, s9;
	s6 =	sadd.s32 @!p0 $0x88, s6;
	s7 =	simm.s32 @p2 $0x1082  }
0x22: {  	[simem:s7], [sflag:s8] =	dma.local @!p0 [hbm:s6], $0xF7A  }
0x23: {  	s9 =	sor.u32 $0xD0000000, s2;
	s6 =	simm.s32 $0x108;
	_ =	swait.ge @!p0 [sflag:s8], $0x0  }
0x24: {  	s3 =	sadd.s32 $0x88, s3;
	s6 =	simm.s32 @!p1 $0x1082;
	[sflag:s4] =	ssyncset.s32 $0xFFFFF086  }
0x25: {  	[simem:s6], [sflag:s4] =	dma.local [hbm:s3], $0xF7A  }
0x26: {  	[smem:$0x3F9A] =	sst s1;
	(tag) =	ssettag s2;
	_ =	strace s9  }
0x27: {  	s1 =	sld [smem:$0x3FAA]  }
0x28: {  	s2 =	sld [smem:$0x3FAB]  }
0x29: {  	s4 =	sld [smem:$0x3FAD]  }
0x2a: {  	p0 =	seq.s32 s5, $0x0;
	s5 =	sld [smem:$0x3FAE]  }
0x2b: {  	s6 =	sld [smem:$0x3FAF]  }
0x2c: {  	s7 =	sld [smem:$0x3FB0]  }
0x2d: {  	s3 =	simm.s32 $0x108;
	s8 =	sld [smem:$0x3FB1]  }
0x2e: {  	s3 =	simm.s32 @!p0 $0x1082;
	s9 =	sld [smem:$0x3FB2]  }
0x2f: {  	lr =	sadd.s32 s0, s3;
	s0 =	sld [smem:$0x3FA9]  }
0x30: {  	s3 =	sld [smem:$0x3FAC]  }
0x31: {  	[smem:$0x3FB5] =	sst s10  }
0x32: {  	s10 =	sld [smem:$0x3FB3];
	_ =	sdelay $0x3  }
0x33: {  	p0 =	seq.s32 s10, $0x1;
	s10 =	sld [smem:$0x3FB5];
	_ =	sdelay $0x3  }
0x34: {  	[smem:$0x3FB5] =	sst s10  }
0x35: {  	s10 =	sld [smem:$0x3FB4];
	_ =	sdelay $0x3  }
0x36: {  	p1 =	seq.s32 s10, $0x1;
	s10 =	sld [smem:$0x3FB5];
	_ =	sdelay $0x3  }
0x37: {  	[smem:$0x3FB5] =	sst s10  }
0x38: {  	s10 =	sld [smem:$0x3FB6]  }
0x39: {  	_ = 	snop;
	(pc) =	sbr.ind lr, $3  }
0x3a: {  	_ = 	snop  }
0x3b: {  	_ = 	snop  }
0x3c: {  	p2 =	seq.s32 s10, $0x1;
	s10 =	sld [smem:$0x3FB5]  }
0x3d: {  	_ =	shalt  }
0x3e: {  	_ =	shalt  }
0x3f: {  	_ =	shalt  }
0x40: {  	_ =	shalt  }
0x41: {  	_ =	shalt  }
0x42: {  	_ =	shalt  }
0x43: {  	_ =	shalt  }
0x44: {  	_ =	shalt  }
0x45: {  	_ =	shalt  }
0x46: {  	_ =	shalt  }
0x47: {  	_ =	shalt  }
0x48: {  	_ =	shalt  }
0x49: {  	_ =	shalt  }
0x4a: {  	_ =	shalt  }
0x4b: {  	_ =	shalt  }
0x4c: {  	_ =	shalt  }
0x4d: {  	_ =	shalt  }
0x4e: {  	_ =	shalt  }
0x4f: {  	_ =	shalt  }
0x50: {  	_ =	shalt  }
0x51: {  	_ =	shalt  }
0x52: {  	_ =	shalt  }
0x53: {  	_ =	shalt  }
0x54: {  	_ =	shalt  }
0x55: {  	_ =	shalt  }
0x56: {  	_ =	shalt  }
0x57: {  	_ =	shalt  }
0x58: {  	_ =	shalt  }
0x59: {  	_ =	shalt  }
0x5a: {  	_ =	shalt  }
0x5b: {  	_ =	shalt  }
0x5c: {  	_ =	shalt  }
0x5d: {  	_ =	shalt  }
0x5e: {  	_ =	shalt  }
0x5f: {  	_ =	shalt  }
0x60: {  	_ =	shalt  }
0x61: {  	_ =	shalt  }
0x62: {  	_ =	shalt  }
0x63: {  	_ =	shalt  }
0x64: {  	_ =	shalt  }
0x65: {  	_ =	shalt  }
0x66: {  	_ =	shalt  }
0x67: {  	_ =	shalt  }
0x68: {  	_ =	shalt  }
0x69: {  	_ =	shalt  }
0x6a: {  	_ =	shalt  }
0x6b: {  	_ =	shalt  }
0x6c: {  	_ =	shalt  }
0x6d: {  	_ =	shalt  }
0x6e: {  	_ =	shalt  }
0x6f: {  	_ =	shalt  }
0x70: {  	_ =	shalt  }
0x71: {  	_ =	shalt  }
0x72: {  	_ =	shalt  }
0x73: {  	_ =	shalt  }
0x74: {  	_ =	shalt  }
0x75: {  	_ =	shalt  }
0x76: {  	_ =	shalt  }
0x77: {  	_ =	shalt  }
0x78: {  	_ =	shalt  }
0x79: {  	_ =	shalt  }
0x7a: {  	_ =	shalt  }
0x7b: {  	_ =	shalt  }
0x7c: {  	_ =	shalt  }
0x7d: {  	_ =	shalt  }
0x7e: {  	_ =	shalt  }
0x7f: {  	_ =	shalt  }
0x80: {  	_ =	shalt  }
0x81: {  	_ =	shalt  }
0x82: {  	_ =	shalt  }
0x83: {  	_ =	shalt  }
0x84: {  	_ =	shalt  }
0x85: {  	_ =	shalt  }
0x86: {  	_ =	shalt  }
0x87: {  	_ =	shalt  }
.Lfunc_end0:
.L_simem_size_0:
called_computation.1_lowered:
.L_overlay_start_0:
0x88: {  	s2 =	sld [smem:$0x3FD9]  }
0x89: {  	s3 =	sld [smem:$0x3FFE];
	_ =	sdelay $0x1  }
0x8a: {  	s1 =	srdreg.scid  }
0x8b: {  	s0 =	sand.u32 $0x1, s1  }
0x8c: {  	s17 =	sshll.u32 s0, $0xA;
	s2 =	sadd.s32 s3, s2  }
0x8d: {  	s2 =	sadd.s32 s2, s17  }
0x8e: {  	[smem:$0x3FC1] =	sst s2  }
0x8f: {  	_ = 	snop  }
0x90: {  	s2 =	sld [smem:$0x3FD0];
	(tm) =	ssettm $0x1  }
0x91: {  	s18 =	sld [smem:$0x3FFB];
	_ =	sdelay $0x3  }
0x92: {  	_ =	strace s18  }
0x93: {  	s3 =	sld [smem:$0x3FFC];
	_ =	sdelay $0x3  }
0x94: {  	_ =	strace s3  }
0x95: {  	s3 =	sld [smem:$0x3FFD];
	_ =	sdelay $0x3  }
0x96: {  	_ =	strace s3  }
0x97: {  	_ =	strace $0x8FFFFFFF  }
0x98: {  	s19 =	sld [smem:$0x3FDB];
	_ =	sdelay $0x1  }
0x99: {  	s4 =	simm.s32 $_scs_section_size  }
0x9a: {  	s5 =	simm.s32 $_size__tile_overlayer_lowered;
	s6 =	simm.s32 $_tile_overlayer_lowered  }
0x9b: {  	s22 =	simm.s32 $0x1BFF;
	s21 =	sshll.u32 s6, $0x1;
	s3 =	sadd.s32 s4, s19  }
0x9c: {  	s7 =	simm.s32 $0x0;
	s20 =	sshll.u32 s5, $0x1;
	s5 =	sadd.s32 s21, s3  }
0x9d: {  	[timem:s7], [sflag:s22] =	dma.local [hbm:s5], s20  }
0x9e: {  	_ =	swait.ge [sflag:s22], s20  }
0x9f: {  	s4 =	ssub.s32 $0x0, s20;
	[sflag:s22] =	ssyncset.done $0x0  }
0xa0: {  	[sflag:s22] =	ssyncadd.s32 s4;
	_ =	sdelay $0x1  }
0xa1: {  	s23 =	simm.s32 $0x1B8B  }
0xa2: {  	_ =	swait.ge [sflag:s23], $0x1  }
0xa3: {  	[sflag:s23] =	ssyncset.done $0x0  }
0xa4: {  	s25 =	simm.s32 $0x1B8E;
	s24 =	sld [smem:$0x3FFE];
	[sflag:s23] =	ssyncadd.s32 $0xFFFFFFFF  }
0xa5: {  	s26 =	simm.s32 $execute0_lowered;
	[smem:$0x3FD2] =	sst s25  }
0xa6: {  	s5 =	sshll.u32 s26, $0x1;
	_ =	strace $0x80000049;
	[dreg:$0x1] =	wrdreg $0xFFFFFFFF  }
0xa7: {  	s28 =	simm.s32 $_size_execute0_lowered;
	s3 =	sadd.s32 s3, s5;
	[dreg:$0x0] =	wrdreg $0x0  }
0xa8: {  	s5 =	sshll.u32 s28, $0x1;
	[dreg:$0x2] =	wrdreg s3  }
0xa9: {  	[dreg:$0x3] =	wrdreg s5  }
0xaa: {  	[dreg:$0x4] =	wrdreg $0xC0  }
0xab: {  	_ =	task [dreg:s7], $0x5FFFF  }
0xac: {  	[dreg:$0x1] =	wrdreg $0xFFFFFFFF  }
0xad: {  	[dreg:$0x0] =	wrdreg $0x60  }
0xae: {  	[dreg:$0x2] =	wrdreg s2  }
0xaf: {  	[dreg:$0x3] =	wrdreg s24  }
0xb0: {  	[dreg:$0x4] =	wrdreg $0xB0000  }
0xb1: {  	[dreg:$0x5] =	wrdreg $0x9  }
0xb2: {  	_ =	task.clear_ibuf [dreg:s7], $0x6FFFF;
	_ =	strace $0x90000049  }
0xb3: {  	s29 =	simm.s32 $0x9;
	_ =	strace $0x8000004B  }
0xb4: {  	_ =	swait.ge [sflag:s29], $0x1  }
0xb5: {  	[sflag:s29] =	ssyncadd.s32 $0xFFFFFFFF  }
0xb6: {  	_ =	strace $0x9000004B  }
0xb7: {  	_ =	sfence  }
0xb8: {  	s30 =	sld [smem:$0x0];
	_ =	sdelay $0x2  }
0xb9: {  	s31 =	sshll.u32 s1, $0xD;
	s1 =	sshrl.u32 s1, $0x2  }
0xba: {  	s3 =	sand.u32 $0x4000, s31;
	s1 =	sadd.s32 s1, s30  }
0xbb: {  	s0 =	sor.u32 s3, s0;
	s1 =	sshll.u32 s1, $0x11  }
0xbc: {  	s0 =	sor.u32 s1, s0  }
0xbd: {  	s0 =	sadd.s32 $0x8F2B, s0  }
0xbe: {  	[sflag:s0] =	ssyncadd.remote.s32 $0x1  }
0xbf: {  	_ =	sfence.sel $0xFFFF  }
0xc0: {  	[dreg:$0x0] =	wrdreg $0xFFFFFFFF;
	(pc) =	sbr.abs _section_cstart, $3  }
0xc1: {  	[dreg:$0x1] =	wrdreg $0xFFFFFFFF  }
0xc2: {  	_ =	task.clear_ibuf [dreg:s7], $0x2FFFF;
	_ =	strace $0x9FFFFFFF  }
0xc3: {  	(tm) =	ssettm $0x7FFFFFFF  }
tec
execute0_lowered:
.L_overlay_start_1:
0x0: {  	(tag) =	ssettag $0x1  }
0x1: {  	s1 =	rddreg [dreg:$0x0]  }
0x2: {  	s0 =	rddreg [dreg:$0x1]  }
0x3: {  	s2 =	rddreg [dreg:$0x2];
	s4 =	simm.s32 $0x0;
	s3 =	srdreg.scid  }
0x4: {  	s15 =	simm.s32 $0x4;
	s17 =	simm.s32 $0x40;
	s18 =	simm.s32 $0x5000  }
0x5: {  	s19 =	simm.s32 $0x80;
	[smem:$0x7FF] =	sst s4;
	s6 =	sand.u32 $0x1, s3  }
0x6: {  	s20 =	simm.s32 $0x7000;
	s3 =	stileid.u32;
	s5 =	smul.u32 $0x140000, s6  }
0x7: {  	s11 =	sadd.s32 $0x68000, s0;
	s12 =	sadd.s32 $0x1800, s0;
	s7 =	smul.u32 $0x14000, s3  }
0x8: {  	s16 =	sadd.s32 $0x12C000, s2;
	_ =	strace $0x8000004A;
	s13 =	smul.u32 $0x50000, s3  }
0x9: {  	s8 =	sshll.u32 s6, $0x4;
	s23 =	ssub.s32 $0x2, s6;
	s26 =	smul.u32 $0x2800, s3  }
0xa: {  	p0 =	sne.s32 s6, $0x0;
	s8 =	sor.u32 s3, s8;
	s10 =	sshrl.u32 s23, $0x1  }
0xb: {  	p2 =	seq.s32 @!p0 s3, $0xF;
	s5 =	sadd.s32 s7, s5;
	s8 =	smul.u32 $0x5000, s8  }
0xc: {  	s14 =	ssub.s32 s23, s10;
	s25 =	sshrl.u32 s13, $0x2;
	s30 =	sadd.s32 s1, s26  }
0xd: {  	s10 =	sadd.s32 $0x25800, s1;
	s23 =	sadd.s32 $0x138800, s2;
	p1 =	por !p2, p0  }
0xe: {  	p2 =	por p2, p0;
	s9 =	sshrl.u32 s5, $0x3;
	s5 =	sadd.s32 $0x15800, s0  }
0xf: {  	[dreg:$0x6] =	wrdreg s30;
	s14 =	smax.u32 s14, $0x1;
	s22 =	sshrl.u32 @!p1 s16, $0x3  }
0x10: {  	s23 =	sshrl.u32 @!p1 s23, $0x3;
	s0 =	sadd.s32 s9, s0;
	s24 =	sshrl.u32 s8, $0x3  }
0x11: {  	s8 =	sadd.s32 s25, s2;
	s28 =	sadd.s32 s11, s24;
	s29 =	sadd.s32 s12, s24  }
0x12: {  	s31 =	sadd.s32 $0x500, s24;
	s13 =	sadd.s32 $0x18000, s0;
	[dreg:$0x4] =	wrdreg s28  }
0x13: {  	s0 =	sshll.u32 @p0 s3, $0x6;
	s24 =	simm.s32 $0x0;
	[dreg:$0x5] =	wrdreg s29  }
0x14: {  	s11 =	sadd.s32 s11, s31;
	s12 =	sadd.s32 s12, s31;
	s21 =	sor.u32 @p0 $0x1C04, s0  }
.LBB2_1:
0x15: {  	s0 =	rddreg [dreg:$0x4]  }
0x16: {  	[tilespmem:s4], [sflag:$0x4] =	stream.linear.gather [hbm4b:s0+s4], $0x2800, $0x38;
	[tilespmem:$0x1F000] =	vst v63  }
0x17: {  	_ =	swait.ge [sflag:s15], $0x2800  }
0x18: {  	[sflag:s15] =	ssyncset.done $0x0  }
0x19: {  	s6 =	simm.s32 $0x2800;
	s25 =	rddreg [dreg:$0x5];
	[sflag:s15] =	ssyncadd.s32 $0xFFFFD800  }
0x1a: {  	[tilespmem:s6], [sflag:$0x4] =	stream.linear.gather [hbm4b:s25+s4], $0x2800, $0x38;
	[tilespmem:$0x1F000] =	vst v63  }
0x1b: {  	_ =	swait.ge [sflag:s15], $0x2800  }
0x1c: {  	[sflag:s15] =	ssyncset.done $0x0  }
0x1d: {  	[sflag:s15] =	ssyncadd.s32 $0xFFFFD800  }
0x1e: {  	[tilespmem:s18], [sflag:$0x1] =	stream.indirect.gather [hbm4b:s1+s17], $0x80, s4, s17, $0xb8;
	[tilespmem:$0x1F000] =	vst v63  }
0x1f: {  	s0 =	sshrl.u32 @p0 s8, $0x3  }
0x20: {  	[tilespmem:s20], [sflag:$0x2] =	stream.indirect.gather [hbm4b:s1+s17], $0x80, s19, s17, $0xb8;
	[tilespmem:$0x1F000] =	vst v63  }
0x21: {  	[spmem:s0], [sflag:s21] =	dma.local @p0 [hbm:s5], $0x2800  }
0x22: {  	s0 =	simm.s32 @p0 $0x4  }
0x23: {  	_ =	swait.ge @p0 [sflag:s0], $0x2800  }
0x24: {  	[sflag:s0] =	ssyncset.done @p0 $0x0  }
0x25: {  	s6 =	simm.s32 @!p1 $0x4;
	[sflag:s0] =	ssyncadd.s32 @p0 $0xFFFFD800;
	s0 =	simm.s32 @!p1 $0x1FC4  }
0x26: {  	[spmem:s22], [sflag:s0] =	dma.local @!p1 [hbm:s10], $0x1900  }
0x27: {  	_ =	swait.ge @!p1 [sflag:s6], $0x1900  }
0x28: {  	[sflag:s6] =	ssyncset.done @!p1 $0x0  }
0x29: {  	[sflag:s6] =	ssyncadd.s32 @!p1 $0xFFFFE700  }
0x2a: {  	[spmem:s23], [sflag:s0] =	dma.local @!p1 [hbm:s5], $0xF00  }
0x2b: {  	s0 =	sshll.u32 @!p2 s3, $0x6;
	_ =	swait.ge @!p1 [sflag:s6], $0xF00  }
0x2c: {  	s0 =	sor.u32 @!p2 $0x1C04, s0;
	[sflag:s6] =	ssyncset.done @!p1 $0x0  }
0x2d: {  	s7 =	rddreg [dreg:$0x6];
	[sflag:s6] =	ssyncadd.s32 @!p1 $0xFFFFF100;
	s6 =	sshrl.u32 @!p2 s8, $0x3  }
0x2e: {  	[spmem:s6], [sflag:s0] =	dma.local @!p2 [hbm:s7], $0x2800  }
0x2f: {  	p3 =	por $0x0, $0x0;
	s0 =	simm.s32 $0x2  }
0x30: {  	s0 =	smul.u32 @!p3 $0xAB, s0  }
0x31: {  	s26 =	simm.s32 $0x0  }
0x32: {  	s16 =	simm.s32 @!p2 $0x4;
	s6 =	smul.u32 $0xAB, s26;
	s0 =	sshrl.u32 @!p3 s0, $0x9  }
0x33: {  	s31 =	simm.s32 $0x3;
	s28 =	simm.s32 $0x1;
	s0 =	sand.u32 @!p3 $0x7F, s0  }
0x34: {  	s29 =	simm.s32 $0x4;
	s6 =	sshrl.u32 s6, $0x9;
	s0 =	smul.u32 @!p3 $0x3, s0  }
0x35: {  	s25 =	simm.s32 @!p3 $0x40;
	_ =	swait.ge @!p2 [sflag:s16], $0x2800;
	s6 =	sand.u32 $0x7F, s6  }
0x36: {  	[sflag:s16] =	ssyncset.done @!p2 $0x0;
	s6 =	smul.u32 $0x3, s6;
	s0 =	ssub.s32 @!p3 $0x2, s0  }
0x37: {  	[sflag:s16] =	ssyncadd.s32 @!p2 $0xFFFFD800;
	s16 =	simm.s32 $0x100;
	s0 =	sand.u32 @!p3 $0xFF, s0  }
0x38: {  	[bflag:$0x0] =	sbarrier.arrive $0xFFFF;
	s6 =	ssub.s32 $0x0, s6;
	s26 =	sshll.u32 @!p3 s0, $0xD  }
0x39: {  	s6 =	sand.u32 $0xFF, s6;
	s0 =	sadd.s32 @!p3 $0x1, s0;
	s26 =	sadd.s32 @!p3 $0x5000, s26  }
0x3a: {  	[tilespmem:s26], [sflag:s0] =	stream.indirect.gather @!p3 [hbm4b:s1+s25], $0x80, s16, s25, $0xb8;
	[tilespmem:$0x1F000] =	vst v63  }
0x3b: {  	s30 =	smul.u32 $0xAB, s28;
	s7 =	sadd.s32 $0x1, s6;
	p3 =	por $0x0, $0x0  }
0x3c: {  	s9 =	sshll.u32 s6, $0xD;
	_ =	swait.ge [sflag:s7], $0x2000;
	s16 =	smul.u32 @!p3 $0xAB, s31  }
0x3d: {  	s26 =	simm.s32 $0x180;
	s25 =	simm.s32 $0x2880;
	[sflag:s7] =	ssyncset.done $0x0  }
0x3e: {  	[sflag:s7] =	ssyncadd.s32 $0xFFFFE000;
	s0 =	sshrl.u32 @!p3 s16, $0x9;
	s16 =	sshrl.u32 s30, $0x9  }
0x3f: {  	s30 =	simm.s32 $0x2800;
	s6 =	sand.u32 @!p3 $0x7F, s0;
	s0 =	sadd.s32 $0x5000, s9  }
.LBB2_2:
0x40: {  	s7 =	sand.u32 $0x7F, s16;
	s6 =	smul.u32 @!p3 $0x3, s6;
	s16 =	smov.u32 s29  }
0x41: {  	s29 =	sadd.s32 $0x1, s29;
	s9 =	smov.u32 s30;
	s30 =	smov.u32 s25  }
0x42: {  	[spmem:s2] =	stream.indirect.scatter.add.f32 [tilespmem:s0], [sflag:$0x4], $0x80, s9, s17, $0xb8;
	[tilespmem:$0x1F000] =	vst v63  }
0x43: {  	s0 =	smul.u32 $0x3, s7  }
0x44: {  	s7 =	simm.s32 @!p3 $0x40;
	s6 =	ssub.s32 @!p3 s31, s6;
	_ =	swait.ge [sflag:s15], $0x2000  }
0x45: {  	p4 =	sne.s32 s29, $0x52;
	s6 =	sand.u32 @!p3 $0xFF, s6;
	[sflag:s15] =	ssyncset.done $0x0  }
0x46: {  	s0 =	ssub.s32 s28, s0;
	s9 =	sshll.u32 @!p3 s6, $0xD;
	s6 =	sadd.s32 @!p3 $0x1, s6  }
0x47: {  	s0 =	sand.u32 $0xFF, s0;
	s9 =	sadd.s32 @!p3 $0x5000, s9;
	[sflag:s15] =	ssyncadd.s32 $0xFFFFE000  }
0x48: {  	[tilespmem:s9], [sflag:s6] =	stream.indirect.gather @!p3 [hbm4b:s1+s7], $0x80, s26, s7, $0xb8;
	[tilespmem:$0x1F000] =	vst v63  }
0x49: {  	s28 =	sadd.s32 $0xFFFFFFFE, s16;
	s7 =	sshll.u32 s0, $0xD;
	s0 =	sadd.s32 $0x1, s0  }
.Ltmp0:
0x4a: {  	p3 =	sgt.u32 s28, $0x4D;
	_ =	swait.ge [sflag:s0], $0x2000;
	(pc) =	sbr.rel @p4 .LBB2_2-.Ltmp0, $4  }
0x4b: {  	s6 =	smul.u32 @!p3 $0xAB, s16;
	[sflag:s0] =	ssyncset.done $0x0  }
0x4c: {  	s31 =	smov.u32 s16;
	s9 =	smul.u32 $0xAB, s28;
	[sflag:s0] =	ssyncadd.s32 $0xFFFFE000  }
0x4d: {  	s25 =	sadd.s32 $0x80, s25;
	s26 =	sadd.s32 $0x80, s26;
	s0 =	sshrl.u32 @!p3 s6, $0x9  }
0x4e: {  	s16 =	sshrl.u32 s9, $0x9;
	s6 =	sand.u32 @!p3 $0x7F, s0;
	s0 =	sadd.s32 $0x5000, s7  }
0x4f: {  	s7 =	sand.u32 $0x7F, s16;
	s6 =	smul.u32 @!p3 $0x3, s6  }
0x50: {  	[spmem:s2] =	stream.indirect.scatter.add.f32 [tilespmem:s0], [sflag:$0x4], $0x80, s30, s17, $0xb8;
	[tilespmem:$0x1F000] =	vst v63  }
0x51: {  	s16 =	smul.u32 $0x3, s7;
	_ =	swait.ge [sflag:s15], $0x2000;
	s6 =	ssub.s32 @!p3 s31, s6  }
0x52: {  	s7 =	simm.s32 @!p3 $0x40;
	[sflag:s15] =	ssyncset.done $0x0;
	s6 =	sand.u32 @!p3 $0xFF, s6  }
0x53: {  	s0 =	ssub.s32 s28, s16;
	[sflag:s15] =	ssyncadd.s32 $0xFFFFE000;
	s9 =	sshll.u32 @!p3 s6, $0xD  }
0x54: {  	s6 =	sadd.s32 @!p3 $0x1, s6;
	s0 =	sand.u32 $0xFF, s0;
	s9 =	sadd.s32 @!p3 $0x5000, s9  }
0x55: {  	[tilespmem:s9], [sflag:s6] =	stream.indirect.gather @!p3 [hbm4b:s1+s7], $0x80, s26, s7, $0xb8;
	[tilespmem:$0x1F000] =	vst v63  }
0x56: {  	s9 =	sadd.s32 $0x1, s0  }
0x57: {  	_ =	swait.ge [sflag:s9], $0x2000  }
0x58: {  	s0 =	sshll.u32 s0, $0xD;
	[sflag:s9] =	ssyncset.done $0x0  }
0x59: {  	s0 =	sadd.s32 $0x5000, s0;
	[sflag:s9] =	ssyncadd.s32 $0xFFFFE000  }
0x5a: {  	[spmem:s2] =	stream.indirect.scatter.add.f32 [tilespmem:s0], [sflag:$0x4], $0x80, s25, s17, $0xb8;
	[tilespmem:$0x1F000] =	vst v63  }
0x5b: {  	s30 =	simm.s32 $0x1;
	_ =	swait.ge [sflag:s15], $0x2000  }
0x5c: {  	p3 =	por $0x0, $0x0;
	s0 =	simm.s32 $0x2;
	[sflag:s15] =	ssyncset.done $0x0  }
0x5d: {  	s31 =	simm.s32 $0x3;
	s0 =	smul.u32 @!p3 $0xAB, s0;
	[sflag:s15] =	ssyncadd.s32 $0xFFFFE000  }
0x5e: {  	[tilespmem:s4], [sflag:$0x4] =	stream.linear.gather [hbm4b:s11+s4], $0x2800, $0x38;
	[tilespmem:$0x1F000] =	vst v63  }
0x5f: {  	s16 =	simm.s32 $0x0;
	s0 =	sshrl.u32 @!p3 s0, $0x9;
	_ =	swait.ge [sflag:s15], $0x2800  }
0x60: {  	s6 =	smul.u32 $0xAB, s16;
	s0 =	sand.u32 @!p3 $0x7F, s0;
	[sflag:s15] =	ssyncset.done $0x0  }
0x61: {  	s25 =	simm.s32 $0x2800;
	s0 =	smul.u32 @!p3 $0x3, s0;
	[sflag:s15] =	ssyncadd.s32 $0xFFFFD800  }
0x62: {  	[tilespmem:s25], [sflag:$0x4] =	stream.linear.gather [hbm4b:s12+s4], $0x2800, $0x38;
	[tilespmem:$0x1F000] =	vst v63  }
0x63: {  	s7 =	simm.s32 $0x100;
	s6 =	sshrl.u32 s6, $0x9;
	_ =	swait.ge [sflag:s15], $0x2800  }
0x64: {  	s6 =	sand.u32 $0x7F, s6;
	s0 =	ssub.s32 @!p3 $0x2, s0;
	[sflag:s15] =	ssyncset.done $0x0  }
0x65: {  	s6 =	smul.u32 $0x3, s6;
	s0 =	sand.u32 @!p3 $0xFF, s0;
	[sflag:s15] =	ssyncadd.s32 $0xFFFFD800  }
0x66: {  	[tilespmem:s18], [sflag:$0x1] =	stream.indirect.gather [hbm4b:s1+s17], $0x80, s4, s17, $0xb8;
	[tilespmem:$0x1F000] =	vst v63  }
0x67: {  	s9 =	simm.s32 @!p3 $0x40;
	s6 =	ssub.s32 $0x0, s6;
	s16 =	sshll.u32 @!p3 s0, $0xD  }
0x68: {  	[tilespmem:s20], [sflag:$0x2] =	stream.indirect.gather [hbm4b:s1+s17], $0x80, s19, s17, $0xb8;
	[tilespmem:$0x1F000] =	vst v63  }
0x69: {  	s6 =	sand.u32 $0xFF, s6;
	s0 =	sadd.s32 @!p3 $0x1, s0;
	s16 =	sadd.s32 @!p3 $0x5000, s16  }
0x6a: {  	[tilespmem:s16], [sflag:s0] =	stream.indirect.gather @!p3 [hbm4b:s1+s9], $0x80, s7, s9, $0xb8;
	[tilespmem:$0x1F000] =	vst v63  }
0x6b: {  	s26 =	sadd.s32 $0x1, s6;
	p3 =	por $0x0, $0x0;
	s16 =	smul.u32 $0xAB, s30  }
0x6c: {  	s29 =	simm.s32 $0x4;
	_ =	swait.ge [sflag:s26], $0x2000;
	s7 =	smul.u32 @!p3 $0xAB, s31  }
0x6d: {  	s28 =	simm.s32 $0x180;
	s9 =	sshll.u32 s6, $0xD;
	[sflag:s26] =	ssyncset.done $0x0  }
0x6e: {  	s6 =	sshrl.u32 s16, $0x9;
	[sflag:s26] =	ssyncadd.s32 $0xFFFFE000;
	s0 =	sshrl.u32 @!p3 s7, $0x9  }
0x6f: {  	s26 =	simm.s32 $0x2880;
	s16 =	sand.u32 @!p3 $0x7F, s0;
	s0 =	sadd.s32 $0x5000, s9  }
.LBB2_4:
0x70: {  	s6 =	sand.u32 $0x7F, s6;
	s7 =	smul.u32 @!p3 $0x3, s16;
	s9 =	smov.u32 s29  }
0x71: {  	s29 =	sadd.s32 $0x1, s29;
	s16 =	smov.u32 s25;
	s25 =	smov.u32 s26  }
0x72: {  	[spmem:s2] =	stream.indirect.scatter.add.f32 [tilespmem:s0], [sflag:$0x4], $0x80, s16, s17, $0xb8;
	[tilespmem:$0x1F000] =	vst v63  }
0x73: {  	s0 =	smul.u32 $0x3, s6  }
0x74: {  	p4 =	sne.s32 s29, $0x52;
	s6 =	ssub.s32 @!p3 s31, s7;
	_ =	swait.ge [sflag:s15], $0x2000  }
0x75: {  	s7 =	simm.s32 @!p3 $0x40;
	s6 =	sand.u32 @!p3 $0xFF, s6;
	[sflag:s15] =	ssyncset.done $0x0  }
0x76: {  	s0 =	ssub.s32 s30, s0;
	s16 =	sshll.u32 @!p3 s6, $0xD;
	s6 =	sadd.s32 @!p3 $0x1, s6  }
0x77: {  	s0 =	sand.u32 $0xFF, s0;
	s16 =	sadd.s32 @!p3 $0x5000, s16;
	[sflag:s15] =	ssyncadd.s32 $0xFFFFE000  }
0x78: {  	[tilespmem:s16], [sflag:s6] =	stream.indirect.gather @!p3 [hbm4b:s1+s7], $0x80, s28, s7, $0xb8;
	[tilespmem:$0x1F000] =	vst v63  }
0x79: {  	s30 =	sadd.s32 $0xFFFFFFFE, s9;
	s7 =	sshll.u32 s0, $0xD;
	s0 =	sadd.s32 $0x1, s0  }
.Ltmp1:
0x7a: {  	p3 =	sgt.u32 s30, $0x4D;
	_ =	swait.ge [sflag:s0], $0x2000;
	(pc) =	sbr.rel @p4 .LBB2_4-.Ltmp1, $4  }
0x7b: {  	s6 =	smul.u32 @!p3 $0xAB, s9;
	[sflag:s0] =	ssyncset.done $0x0  }
0x7c: {  	s31 =	smov.u32 s9;
	s16 =	smul.u32 $0xAB, s30;
	[sflag:s0] =	ssyncadd.s32 $0xFFFFE000  }
0x7d: {  	s26 =	sadd.s32 $0x80, s26;
	s28 =	sadd.s32 $0x80, s28;
	s0 =	sshrl.u32 @!p3 s6, $0x9  }
0x7e: {  	s6 =	sshrl.u32 s16, $0x9;
	s16 =	sand.u32 @!p3 $0x7F, s0;
	s0 =	sadd.s32 $0x5000, s7  }
0x7f: {  	s6 =	sand.u32 $0x7F, s6;
	s7 =	smul.u32 @!p3 $0x3, s16  }
0x80: {  	[spmem:s2] =	stream.indirect.scatter.add.f32 [tilespmem:s0], [sflag:$0x4], $0x80, s25, s17, $0xb8;
	[tilespmem:$0x1F000] =	vst v63  }
0x81: {  	s25 =	smul.u32 $0x3, s6  }
0x82: {  	_ =	swait.ge [sflag:s15], $0x2000;
	s6 =	ssub.s32 @!p3 s31, s7;
	s7 =	simm.s32 @!p3 $0x40  }
0x83: {  	[sflag:s15] =	ssyncset.done $0x0;
	s6 =	sand.u32 @!p3 $0xFF, s6;
	s0 =	ssub.s32 s30, s25  }
0x84: {  	[sflag:s15] =	ssyncadd.s32 $0xFFFFE000;
	s9 =	sshll.u32 @!p3 s6, $0xD;
	s0 =	sand.u32 $0xFF, s0  }
0x85: {  	s6 =	sadd.s32 @!p3 $0x1, s6;
	s9 =	sadd.s32 @!p3 $0x5000, s9;
	s29 =	sadd.s32 $0x1, s0  }
0x86: {  	[tilespmem:s9], [sflag:s6] =	stream.indirect.gather @!p3 [hbm4b:s1+s7], $0x80, s28, s7, $0xb8;
	[tilespmem:$0x1F000] =	vst v63  }
0x87: {  	_ =	swait.ge [sflag:s29], $0x2000  }
0x88: {  	s0 =	sshll.u32 s0, $0xD;
	[sflag:s29] =	ssyncset.done $0x0  }
0x89: {  	s0 =	sadd.s32 $0x5000, s0;
	[sflag:s29] =	ssyncadd.s32 $0xFFFFE000  }
0x8a: {  	[spmem:s2] =	stream.indirect.scatter.add.f32 [tilespmem:s0], [sflag:$0x4], $0x80, s26, s17, $0xb8;
	[tilespmem:$0x1F000] =	vst v63  }
0x8b: {  	_ =	swait.ge [sflag:s15], $0x2000  }
0x8c: {  	s24 =	sadd.s32 $0x1, s24;
	s31 =	sshrl.u32 s8, $0x3;
	[sflag:s15] =	ssyncset.done $0x0  }
0x8d: {  	s30 =	sshll.u32 s3, $0x6;
	p3 =	sne.s32 s24, s14;
	[sflag:s15] =	ssyncadd.s32 $0xFFFFE000  }
.Ltmp2:
0x8e: {  	s0 =	sor.u32 $0x1C04, s30;
	[bflag:$0x0] =	sbarrier.arrive $0xFFFF;
	(pc) =	sbr.rel @p3 .LBB2_1-.Ltmp2, $4  }
0x8f: {  	[hbm:s13], [sflag:s0] =	dma.local [spmem:s31], $0x2800  }
0x90: {  	_ =	swait.ge [sflag:s15], $0x2800  }
0x91: {  	[sflag:s15] =	ssyncset.done $0x0  }
0x92: {  	[sflag:s15] =	ssyncadd.s32 $0xFFFFD800  }
0x93: {  	_ =	sfence.sel $0x180000  }
0x94: {  	[bflag:$0x0] =	sbarrier.arrive $0xFFFF  }
0x95: {  	_ =	strace $0x9000004A  }
0x96: {  	[bflag:$0x2] =	sbarrier.arrive $0xFFFF  }
0x97: {  	p0 =	sne.s32 s3, $0x0;
	s0 =	rddreg [dreg:$0x3]  }
0x98: {  	s0 =	sadd.s32 @!p0 $0x100000, s0  }
0x99: {  	[sflag:s0] =	ssyncadd.tile.s32 @!p0 $0x1;
	_ =	shalt  }
.Lfunc_end2:
_tile_overlayer_lowered:
.L_overlay_start_2:
0x9a: {  	(tag) =	ssettag $0x2  }
0x9b: {  	s0 =	rddreg [dreg:$0x0];
	s2 =	stileid.u32  }
0x9c: {  	s1 =	rddreg [dreg:$0x1];
	p0 =	sne.s32 s2, $0x0  }
0x9d: {  	s3 =	rddreg [dreg:$0x2];
	[bflag:$0x3] =	sbarrier.arrive $0xFFFF;
	s2 =	simm.s32 @!p0 $0x1C04  }
0x9e: {  	[timem:s3], [sflag:s2] =	dma.local @!p0 [hbm:s0], s1  }
0x9f: {  	s0 =	simm.s32 @!p0 $0x4  }
0xa0: {  	_ =	swait.ge @!p0 [sflag:s0], s1  }
0xa1: {  	s1 =	ssub.s32 @!p0 $0x0, s1;
	[sflag:s0] =	ssyncset.done @!p0 $0x0  }
0xa2: {  	[sflag:s0] =	ssyncadd.s32 @!p0 s1  }
0xa3: {  	[bflag:$0x3] =	sbarrier.arrive $0xFFFF  }
0xa4: {  	_ =	shalt  }

</sc_bundles>
